<compile_context>
chip_gen: v7x
topology: tpu7x:2x2x1
jax: 0.10.2.dev20260603
libtpu: 0.0.44.dev20260713+nightly
codegen_flags: <defaults>
</compile_context>

<pallas_src>
import functools

import jax
import jax.numpy as jnp
from jax import lax
from jax.experimental import pallas as pl
from jax.experimental.pallas import tpu as pltpu
from jax.experimental.pallas import tpu_sc as plsc

N = 10000
E = 320000
NP = 10240
BR = 512
NB = NP // BR
NG = 64
C = 128
NT = 16
K2 = -(-E // (2 * NT * C))
EP2 = 2 * NT * K2 * C
NPS = NP // NT
W = 8

_f32 = jnp.float32



@functools.lru_cache(maxsize=None)
def _make_agg_full():
    mesh = plsc.VectorSubcoreMesh(core_axis_name="c", subcore_axis_name="s")

    def body(g, src3, dst3, zz, out0, out1, idxs_v, idxd_v, bufa,
             s_sp, gsa):
        c = lax.axis_index("c")
        s = lax.axis_index("s")
        w = c * NT + s
        pltpu.sync_copy(zz, s_sp.at[pl.ds(s * NPS, NPS)])
        pltpu.sync_copy(src3.at[w], idxs_v)
        pltpu.sync_copy(dst3.at[w], idxd_v)
        plsc.subcore_barrier()

        def step(j, carry):
            pltpu.async_copy(g.at[idxs_v.at[j]], bufa, gsa).wait()
            pltpu.sync_copy(bufa, s_sp.at[idxd_v.at[j]], add=True)
            return carry

        lax.fori_loop(0, K2, step, 0)
        plsc.subcore_barrier()

        @pl.when(c == 0)
        def _():
            pltpu.sync_copy(s_sp.at[pl.ds(s * NPS, NPS)],
                            out0.at[pl.ds(s * NPS, NPS)])

        @pl.when(c == 1)
        def _():
            pltpu.sync_copy(s_sp.at[pl.ds(s * NPS, NPS)],
                            out1.at[pl.ds(s * NPS, NPS)])

    return pl.kernel(
        body,
        out_type=[jax.ShapeDtypeStruct((NP, 128), _f32),
                  jax.ShapeDtypeStruct((NP, 128), _f32)],
        mesh=mesh,
        scratch_types=[
            pltpu.VMEM((K2, C), jnp.int32),
            pltpu.VMEM((K2, C), jnp.int32),
            pltpu.VMEM((C, 128), _f32),
            pltpu.VMEM_SHARED((NP, 128), _f32),
            pltpu.SemaphoreType.DMA,
        ],
    )


def _agg_full(g, src3, dst3, zz):
    return _make_agg_full()(g, src3, dst3, zz)



def _rspec(w):
    return pl.BlockSpec((BR, w), lambda i: (i, 0))


def _fullspec(r, w):
    return pl.BlockSpec((r, w), lambda i: (0, 0))


def _tc1_body(x_ref, w_ref, d0_ref, d1_ref, g_ref, dv_ref):
    deg = d0_ref[:, 0:1] + d1_ref[:, 0:1] + 1.0
    dinv = lax.rsqrt(jnp.maximum(deg, 1e-12))
    h = jnp.dot(x_ref[:], w_ref[:], preferred_element_type=_f32)
    g_ref[:] = dinv * h
    dv_ref[:] = jnp.broadcast_to(dinv, (BR, 8))


def _tc1(data_p, w1, d0, d1):
    return pl.pallas_call(
        _tc1_body,
        grid=(NB,),
        in_specs=[_rspec(128), _fullspec(128, 128), _rspec(128), _rspec(128)],
        out_specs=[_rspec(128), _rspec(8)],
        out_shape=[jax.ShapeDtypeStruct((NP, 128), _f32),
                   jax.ShapeDtypeStruct((NP, 8), _f32)],
    )(data_p, w1, d0, d1)


def _tc2_body(s0_ref, s1_ref, g_ref, dv_ref, b_ref, w_ref, ol_ref, oh_ref):
    dinv = dv_ref[:, 0:1]
    x = dinv * (s0_ref[:] + s1_ref[:] + g_ref[:]) + b_ref[:]
    x = jnp.maximum(x, 0.0)
    h = jnp.dot(x, w_ref[:], preferred_element_type=_f32)
    g2 = dinv * h
    ol_ref[:] = g2[:, :128]
    oh_ref[:] = g2[:, 128:]


def _tc2(s0, s1, g, dv, b, w):
    return pl.pallas_call(
        _tc2_body,
        grid=(NB,),
        in_specs=[_rspec(128), _rspec(128), _rspec(128), _rspec(8),
                  _fullspec(1, 128), _fullspec(128, 256)],
        out_specs=[_rspec(128), _rspec(128)],
        out_shape=[jax.ShapeDtypeStruct((NP, 128), _f32),
                   jax.ShapeDtypeStruct((NP, 128), _f32)],
    )(s0, s1, g, dv, b, w)


def _tc3_body(sla_ref, slb_ref, sha_ref, shb_ref, gl_ref, gh_ref, dv_ref,
              b_ref, w_ref, o_ref):
    dinv = dv_ref[:, 0:1]
    x_lo = jnp.maximum(
        dinv * (sla_ref[:] + slb_ref[:] + gl_ref[:]) + b_ref[:, :128], 0.0)
    x_hi = jnp.maximum(
        dinv * (sha_ref[:] + shb_ref[:] + gh_ref[:]) + b_ref[:, 128:], 0.0)
    h = (jnp.dot(x_lo, w_ref[:128, :], preferred_element_type=_f32)
         + jnp.dot(x_hi, w_ref[128:, :], preferred_element_type=_f32))
    o_ref[:] = dinv * h


def _tc3(sla, slb, sha, shb, gl, gh, dv, b, w):
    return pl.pallas_call(
        _tc3_body,
        grid=(NB,),
        in_specs=[_rspec(128), _rspec(128), _rspec(128), _rspec(128),
                  _rspec(128), _rspec(128), _rspec(8), _fullspec(1, 256),
                  _fullspec(256, 128)],
        out_specs=_rspec(128),
        out_shape=jax.ShapeDtypeStruct((NP, 128), _f32),
    )(sla, slb, sha, shb, gl, gh, dv, b, w)


def _tc4_body(s0_ref, s1_ref, g_ref, dv_ref, b_ref, batch_ref, out_ref):
    i = pl.program_id(0)

    @pl.when(i == 0)
    def _():
        out_ref[:] = jnp.full((NG, 128), -jnp.inf, _f32)

    dinv = dv_ref[:, 0:1]
    h = dinv * (s0_ref[:] + s1_ref[:] + g_ref[:]) + b_ref[:]
    batch = batch_ref[:]
    gid_iota = lax.broadcasted_iota(jnp.int32, (NG, 1), 0)

    def step(gid, acc):
        m = batch == gid
        red = jnp.max(jnp.where(m, h, -jnp.inf), axis=0, keepdims=True)
        return jnp.maximum(acc, jnp.where(gid_iota == gid, red, -jnp.inf))

    acc = lax.fori_loop(0, NG, step, jnp.full((NG, 128), -jnp.inf, _f32))
    out_ref[:] = jnp.maximum(out_ref[:], acc)


def _tc4(s0, s1, g, dv, b, batch_p):
    return pl.pallas_call(
        _tc4_body,
        grid=(NB,),
        in_specs=[_rspec(128), _rspec(128), _rspec(128), _rspec(8),
                  _fullspec(1, 128), _rspec(1)],
        out_specs=pl.BlockSpec((NG, 128), lambda i: (0, 0)),
        out_shape=jax.ShapeDtypeStruct((NG, 128), _f32),
    )(s0, s1, g, dv, b, batch_p)



def kernel(data, edge_index, batch, W1, b1, W2, b2, W3, b3):
    src = edge_index[0]
    dst = edge_index[1]
    data_p = jnp.pad(data, ((0, NP - N), (0, 0)))
    batch_p = jnp.pad(batch, (0, NP - N), constant_values=-1).reshape(NP, 1)
    src2 = jnp.pad(src, (0, EP2 - E), constant_values=N).reshape(2 * NT, K2, C)
    dst2 = jnp.pad(dst, (0, EP2 - E), constant_values=N).reshape(2 * NT, K2, C)
    zz128 = jnp.zeros((NPS, 128), _f32)
    ones_g = jnp.ones((NP, 128), _f32)

    d0, d1 = _agg_full(ones_g, src2, dst2, zz128)
    g1, dinv = _tc1(data_p, W1, d0, d1)
    s1a, s1b = _agg_full(g1, src2, dst2, zz128)
    g2l, g2h = _tc2(s1a, s1b, g1, dinv, b1.reshape(1, 128), W2)
    s2la, s2lb = _agg_full(g2l, src2, dst2, zz128)
    s2ha, s2hb = _agg_full(g2h, src2, dst2, zz128)
    g3 = _tc3(s2la, s2lb, s2ha, s2hb, g2l, g2h, dinv, b2.reshape(1, 256), W3)
    s3a, s3b = _agg_full(g3, src2, dst2, zz128)
    return _tc4(s3a, s3b, g3, dinv, b3.reshape(1, 128), batch_p)

# --- scband reference (transcript-rebuilt; emitter-appended) ---
"""Pipeline reference for scband-encoder-67121748901904 (READ-ONLY COPY).

The authoritative reference and input builder live on the scoring server;
editing this copy changes nothing except your own understanding.
"""

import jax, jax.numpy as jnp
import numpy as np

N = 10000
E = 320000
D_IN = 128
HID = 128
N_GRAPHS = 64


def setup_inputs(seed: int = 0) -> dict:
    key = jax.random.key(seed)
    ks = jax.random.split(key, 10)
    data = jax.random.normal(ks[0], (N, D_IN), dtype=jnp.float32)
    edge_index = jax.random.randint(ks[1], (2, E), 0, N, dtype=jnp.int32)
    batch = jnp.sort(jax.random.randint(ks[2], (N,), 0, N_GRAPHS, dtype=jnp.int32))
    W1 = jax.random.normal(ks[3], (D_IN, HID), dtype=jnp.float32) * (1.0 / np.sqrt(D_IN))
    b1 = jnp.zeros((HID,), dtype=jnp.float32)
    W2 = jax.random.normal(ks[4], (HID, HID * 2), dtype=jnp.float32) * (1.0 / np.sqrt(HID))
    b2 = jnp.zeros((HID * 2,), dtype=jnp.float32)
    W3 = jax.random.normal(ks[5], (HID * 2, HID), dtype=jnp.float32) * (1.0 / np.sqrt(HID * 2))
    b3 = jnp.zeros((HID,), dtype=jnp.float32)
    return {"data": data, "edge_index": edge_index, "batch": batch,
            "W1": W1, "b1": b1, "W2": W2, "b2": b2, "W3": W3, "b3": b3}


def _gcn_conv(x, edge_index, W, b):
    # PyG-style GCNConv: add self loops, symmetric normalization D^-1/2 (A+I) D^-1/2 X W + b
    src = edge_index[0]
    dst = edge_index[1]
    loop = jnp.arange(N, dtype=src.dtype)
    src = jnp.concatenate([src, loop])
    dst = jnp.concatenate([dst, loop])
    deg = jnp.zeros((N,), dtype=x.dtype).at[dst].add(1.0)
    dinv = jax.lax.rsqrt(jnp.maximum(deg, 1e-12))
    norm = dinv[src] * dinv[dst]
    h = x @ W
    msg = h[src] * norm[:, None]
    out = jnp.zeros((N, W.shape[1]), dtype=x.dtype).at[dst].add(msg)
    return out + b


def reference(data, edge_index, batch, W1, b1, W2, b2, W3, b3):
    h = jax.nn.relu(_gcn_conv(data, edge_index, W1, b1))
    h = jax.nn.relu(_gcn_conv(h, edge_index, W2, b2))
    h = _gcn_conv(h, edge_index, W3, b3)
    out = jax.ops.segment_max(h, batch, num_segments=N_GRAPHS)
    return out

if __name__ == "__main__":
    import jax
    _d = setup_inputs()
    print(jax.jit(kernel)(*tuple(_d.values())))

</pallas_src>

<mosaic_0001>
#map = affine_map<(d0, d1) -> (0, 0)>
#map1 = affine_map<(d0, d1) -> (0, 0, 0)>
module attributes {stable_mosaic.version = 14 : i64} {
  func.func @body(%arg0: i32, %arg1: i32, %arg2: memref<10240x128xf32, #tpu.memory_space<hbm>>, %arg3: memref<32x79x128xi32, #tpu.memory_space<hbm>>, %arg4: memref<32x79x128xi32, #tpu.memory_space<hbm>>, %arg5: memref<640x128xf32, #tpu.memory_space<hbm>>, %arg6: memref<10240x128xf32, #tpu.memory_space<hbm>>, %arg7: memref<10240x128xf32, #tpu.memory_space<hbm>>, %arg8: memref<79x128xi32, #tpu.memory_space<vmem>>, %arg9: memref<79x128xi32, #tpu.memory_space<vmem>>, %arg10: memref<128x128xf32, #tpu.memory_space<vmem>>, %arg11: memref<10240x128xf32, #tpu.memory_space<vmem_shared>>, %arg12: memref<!tpu.dma_semaphore, #tpu.memory_space<semaphore_mem>>) attributes {dimension_semantics = [#tpu.dimension_semantics<core_parallel>, #tpu.dimension_semantics<subcore_parallel>], iteration_bounds = array<i64: 2, 16>, scalar_prefetch = 0 : i64, scratch_operands = 5 : i64, tpu.core_type = #tpu.core_type<sc_vector_subcore>, window_params = [{transform_indices = #map}, {transform_indices = #map1}, {transform_indices = #map1}, {transform_indices = #map}, {transform_indices = #map}, {transform_indices = #map}]} {
    %mul3A = arith.constant 16 : i32
    %mul3A_0 = arith.muli %arg0, %mul3A : i32
    %add3A = arith.addi %mul3A_0, %arg1 : i32
    %mul3A_1 = arith.constant 640 : i32
    %mul3A_2 = arith.muli %arg1, %mul3A_1 : i32
    "tpu.region"() ({
      %run_scoped3A = tpu.sem_alloc : memref<!tpu.dma_semaphore, #tpu.memory_space<semaphore_mem>>
      %dma_start3A = arith.constant 0 : i32
      %dma_start3A_16 = tpu.memref_slice %arg11[%mul3A_2, %dma_start3A] : memref<10240x128xf32, #tpu.memory_space<vmem_shared>> -> memref<640x128xf32, #tpu.memory_space<vmem_shared>>
      tpu.enqueue_dma source(%arg5 : memref<640x128xf32, #tpu.memory_space<hbm>>) target(%dma_start3A_16 : memref<640x128xf32, #tpu.memory_space<vmem_shared>>) target_semaphore(%run_scoped3A : memref<!tpu.dma_semaphore, #tpu.memory_space<semaphore_mem>>)
      %dma_wait3A = arith.constant 0 : i32
      %dma_wait3A_17 = tpu.memref_slice %arg11[%mul3A_2, %dma_wait3A] : memref<10240x128xf32, #tpu.memory_space<vmem_shared>> -> memref<640x128xf32, #tpu.memory_space<vmem_shared>>
      tpu.wait_dma2 semaphore(%run_scoped3A : memref<!tpu.dma_semaphore, #tpu.memory_space<semaphore_mem>>) src(%arg5 : memref<640x128xf32, #tpu.memory_space<hbm>>) dst(%dma_wait3A_17 : memref<640x128xf32, #tpu.memory_space<vmem_shared>>)
      tpu.yield
    }) : () -> ()
    "tpu.region"() ({
      %run_scoped3A = tpu.sem_alloc : memref<!tpu.dma_semaphore, #tpu.memory_space<semaphore_mem>>
      %dma_start3A = arith.constant 0 : i32
      %dma_start3A_16 = arith.constant 0 : i32
      %dma_start3A_17 = tpu.memref_slice %arg3[%add3A, %dma_start3A, %dma_start3A_16] : memref<32x79x128xi32, #tpu.memory_space<hbm>> -> memref<1x79x128xi32, #tpu.memory_space<hbm>>
      %dma_start3A_18 = tpu.memref_squeeze %dma_start3A_17 : memref<1x79x128xi32, #tpu.memory_space<hbm>> -> memref<79x128xi32, #tpu.memory_space<hbm>>
      %dma_start3A_19 = arith.constant 0 : i32
      %dma_start3A_20 = arith.constant 0 : i32
      %dma_start3A_21 = tpu.memref_slice %arg3[%add3A, %dma_start3A_19, %dma_start3A_20] : memref<32x79x128xi32, #tpu.memory_space<hbm>> -> memref<1x79x128xi32, #tpu.memory_space<hbm>>
      %dma_start3A_22 = tpu.memref_squeeze %dma_start3A_21 : memref<1x79x128xi32, #tpu.memory_space<hbm>> -> memref<79x128xi32, #tpu.memory_space<hbm>>
      tpu.enqueue_dma source(%dma_start3A_22 : memref<79x128xi32, #tpu.memory_space<hbm>>) target(%arg8 : memref<79x128xi32, #tpu.memory_space<vmem>>) target_semaphore(%run_scoped3A : memref<!tpu.dma_semaphore, #tpu.memory_space<semaphore_mem>>)
      %dma_wait3A = arith.constant 0 : i32
      %dma_wait3A_23 = arith.constant 0 : i32
      %dma_wait3A_24 = tpu.memref_slice %arg3[%add3A, %dma_wait3A, %dma_wait3A_23] : memref<32x79x128xi32, #tpu.memory_space<hbm>> -> memref<1x79x128xi32, #tpu.memory_space<hbm>>
      %dma_wait3A_25 = tpu.memref_squeeze %dma_wait3A_24 : memref<1x79x128xi32, #tpu.memory_space<hbm>> -> memref<79x128xi32, #tpu.memory_space<hbm>>
      %dma_wait3A_26 = arith.constant 0 : i32
      %dma_wait3A_27 = arith.constant 0 : i32
      %dma_wait3A_28 = tpu.memref_slice %arg3[%add3A, %dma_wait3A_26, %dma_wait3A_27] : memref<32x79x128xi32, #tpu.memory_space<hbm>> -> memref<1x79x128xi32, #tpu.memory_space<hbm>>
      %dma_wait3A_29 = tpu.memref_squeeze %dma_wait3A_28 : memref<1x79x128xi32, #tpu.memory_space<hbm>> -> memref<79x128xi32, #tpu.memory_space<hbm>>
      tpu.wait_dma2 semaphore(%run_scoped3A : memref<!tpu.dma_semaphore, #tpu.memory_space<semaphore_mem>>) src(%dma_wait3A_29 : memref<79x128xi32, #tpu.memory_space<hbm>>) dst(%arg8 : memref<79x128xi32, #tpu.memory_space<vmem>>)
      tpu.yield
    }) : () -> ()
    "tpu.region"() ({
      %run_scoped3A = tpu.sem_alloc : memref<!tpu.dma_semaphore, #tpu.memory_space<semaphore_mem>>
      %dma_start3A = arith.constant 0 : i32
      %dma_start3A_16 = arith.constant 0 : i32
      %dma_start3A_17 = tpu.memref_slice %arg4[%add3A, %dma_start3A, %dma_start3A_16] : memref<32x79x128xi32, #tpu.memory_space<hbm>> -> memref<1x79x128xi32, #tpu.memory_space<hbm>>
      %dma_start3A_18 = tpu.memref_squeeze %dma_start3A_17 : memref<1x79x128xi32, #tpu.memory_space<hbm>> -> memref<79x128xi32, #tpu.memory_space<hbm>>
      %dma_start3A_19 = arith.constant 0 : i32
      %dma_start3A_20 = arith.constant 0 : i32
      %dma_start3A_21 = tpu.memref_slice %arg4[%add3A, %dma_start3A_19, %dma_start3A_20] : memref<32x79x128xi32, #tpu.memory_space<hbm>> -> memref<1x79x128xi32, #tpu.memory_space<hbm>>
      %dma_start3A_22 = tpu.memref_squeeze %dma_start3A_21 : memref<1x79x128xi32, #tpu.memory_space<hbm>> -> memref<79x128xi32, #tpu.memory_space<hbm>>
      tpu.enqueue_dma source(%dma_start3A_22 : memref<79x128xi32, #tpu.memory_space<hbm>>) target(%arg9 : memref<79x128xi32, #tpu.memory_space<vmem>>) target_semaphore(%run_scoped3A : memref<!tpu.dma_semaphore, #tpu.memory_space<semaphore_mem>>)
      %dma_wait3A = arith.constant 0 : i32
      %dma_wait3A_23 = arith.constant 0 : i32
      %dma_wait3A_24 = tpu.memref_slice %arg4[%add3A, %dma_wait3A, %dma_wait3A_23] : memref<32x79x128xi32, #tpu.memory_space<hbm>> -> memref<1x79x128xi32, #tpu.memory_space<hbm>>
      %dma_wait3A_25 = tpu.memref_squeeze %dma_wait3A_24 : memref<1x79x128xi32, #tpu.memory_space<hbm>> -> memref<79x128xi32, #tpu.memory_space<hbm>>
      %dma_wait3A_26 = arith.constant 0 : i32
      %dma_wait3A_27 = arith.constant 0 : i32
      %dma_wait3A_28 = tpu.memref_slice %arg4[%add3A, %dma_wait3A_26, %dma_wait3A_27] : memref<32x79x128xi32, #tpu.memory_space<hbm>> -> memref<1x79x128xi32, #tpu.memory_space<hbm>>
      %dma_wait3A_29 = tpu.memref_squeeze %dma_wait3A_28 : memref<1x79x128xi32, #tpu.memory_space<hbm>> -> memref<79x128xi32, #tpu.memory_space<hbm>>
      tpu.wait_dma2 semaphore(%run_scoped3A : memref<!tpu.dma_semaphore, #tpu.memory_space<semaphore_mem>>) src(%dma_wait3A_29 : memref<79x128xi32, #tpu.memory_space<hbm>>) dst(%arg9 : memref<79x128xi32, #tpu.memory_space<vmem>>)
      tpu.yield
    }) : () -> ()
    %barrier3A = arith.constant 0 : index
    tpu.barrier barrier_id(%barrier3A)
    %scan3A = arith.constant 0 : i32
    %scan3A_3 = arith.constant 0 : i32
    %scan3A_4 = arith.constant 79 : i32
    %scan3A_5 = arith.addi %scan3A_3, %scan3A_4 : i32
    %scan3A_6 = arith.constant 1 : i32
    scf.for %scan3A_16 = %scan3A_3 to %scan3A_5 step %scan3A_6  : i32 {
      %dma_start3A = arith.constant 0 : i32
      %dma_start3A_17 = tpu.memref_slice %arg8[%scan3A_16, %dma_start3A] : memref<79x128xi32, #tpu.memory_space<vmem>> -> memref<1x128xi32, #tpu.memory_space<vmem>>
      %dma_start3A_18 = tpu.memref_squeeze %dma_start3A_17 : memref<1x128xi32, #tpu.memory_space<vmem>> -> memref<128xi32, #tpu.memory_space<vmem>>
      %dma_start3A_19 = arith.constant 0 : i32
      %dma_start3A_20 = arith.constant 0 : i32
      %dma_start3A_21 = tpu.memref_slice %arg2[%dma_start3A_19, %dma_start3A_20] : memref<10240x128xf32, #tpu.memory_space<hbm>> -> memref<10240x128xf32, #tpu.memory_space<hbm>>
      tpu.enqueue_indirect_dma source(%dma_start3A_21 : memref<10240x128xf32, #tpu.memory_space<hbm>>) target(%arg10 : memref<128x128xf32, #tpu.memory_space<vmem>>) offsets(%dma_start3A_18 : memref<128xi32, #tpu.memory_space<vmem>>) semaphore(%arg12 : memref<!tpu.dma_semaphore, #tpu.memory_space<semaphore_mem>>)
      %dma_wait3A = arith.constant 0 : i32
      %dma_wait3A_22 = tpu.memref_slice %arg8[%scan3A_16, %dma_wait3A] : memref<79x128xi32, #tpu.memory_space<vmem>> -> memref<1x128xi32, #tpu.memory_space<vmem>>
      %dma_wait3A_23 = tpu.memref_squeeze %dma_wait3A_22 : memref<1x128xi32, #tpu.memory_space<vmem>> -> memref<128xi32, #tpu.memory_space<vmem>>
      %dma_wait3A_24 = arith.constant 0 : i32
      %dma_wait3A_25 = arith.constant 0 : i32
      %dma_wait3A_26 = tpu.memref_slice %arg2[%dma_wait3A_24, %dma_wait3A_25] : memref<10240x128xf32, #tpu.memory_space<hbm>> -> memref<10240x128xf32, #tpu.memory_space<hbm>>
      tpu.wait_indirect_dma semaphore(%arg12 : memref<!tpu.dma_semaphore, #tpu.memory_space<semaphore_mem>>) src(%dma_wait3A_26 : memref<10240x128xf32, #tpu.memory_space<hbm>>) dst(%arg10 : memref<128x128xf32, #tpu.memory_space<vmem>>)
      "tpu.region"() ({
        %run_scoped3A = tpu.sem_alloc : memref<!tpu.dma_semaphore, #tpu.memory_space<semaphore_mem>>
        %dma_start3A_27 = arith.constant 0 : i32
        %dma_start3A_28 = tpu.memref_slice %arg9[%scan3A_16, %dma_start3A_27] : memref<79x128xi32, #tpu.memory_space<vmem>> -> memref<1x128xi32, #tpu.memory_space<vmem>>
        %dma_start3A_29 = tpu.memref_squeeze %dma_start3A_28 : memref<1x128xi32, #tpu.memory_space<vmem>> -> memref<128xi32, #tpu.memory_space<vmem>>
        %dma_start3A_30 = arith.constant 0 : i32
        %dma_start3A_31 = arith.constant 0 : i32
        %dma_start3A_32 = tpu.memref_slice %arg11[%dma_start3A_30, %dma_start3A_31] : memref<10240x128xf32, #tpu.memory_space<vmem_shared>> -> memref<10240x128xf32, #tpu.memory_space<vmem_shared>>
        tpu.enqueue_indirect_dma source(%arg10 : memref<128x128xf32, #tpu.memory_space<vmem>>) target(%dma_start3A_32 : memref<10240x128xf32, #tpu.memory_space<vmem_shared>>) offsets(%dma_start3A_29 : memref<128xi32, #tpu.memory_space<vmem>>) semaphore(%run_scoped3A : memref<!tpu.dma_semaphore, #tpu.memory_space<semaphore_mem>>) {add = true}
        %dma_wait3A_33 = arith.constant 0 : i32
        %dma_wait3A_34 = tpu.memref_slice %arg9[%scan3A_16, %dma_wait3A_33] : memref<79x128xi32, #tpu.memory_space<vmem>> -> memref<1x128xi32, #tpu.memory_space<vmem>>
        %dma_wait3A_35 = tpu.memref_squeeze %dma_wait3A_34 : memref<1x128xi32, #tpu.memory_space<vmem>> -> memref<128xi32, #tpu.memory_space<vmem>>
        %dma_wait3A_36 = arith.constant 0 : i32
        %dma_wait3A_37 = arith.constant 0 : i32
        %dma_wait3A_38 = tpu.memref_slice %arg11[%dma_wait3A_36, %dma_wait3A_37] : memref<10240x128xf32, #tpu.memory_space<vmem_shared>> -> memref<10240x128xf32, #tpu.memory_space<vmem_shared>>
        tpu.wait_indirect_dma semaphore(%run_scoped3A : memref<!tpu.dma_semaphore, #tpu.memory_space<semaphore_mem>>) src(%arg10 : memref<128x128xf32, #tpu.memory_space<vmem>>) dst(%dma_wait3A_38 : memref<10240x128xf32, #tpu.memory_space<vmem_shared>>)
        tpu.yield
      }) : () -> ()
    }
    %scan3A_7 = arith.constant 79 : i32
    %barrier3A_8 = arith.constant 0 : index
    tpu.barrier barrier_id(%barrier3A_8)
    %eq3A = arith.constant 0 : i32
    %eq3A_9 = arith.cmpi eq, %arg0, %eq3A : i32
    %convert_element_type3A = arith.extui %eq3A_9 : i1 to i32
    %cond3A = arith.constant 0 : i32
    %cond3A_10 = arith.cmpi ne, %convert_element_type3A, %cond3A : i32
    scf.if %cond3A_10 {
      %mul3A_16 = arith.constant 640 : i32
      %mul3A_17 = arith.muli %arg1, %mul3A_16 : i32
      %mul3A_18 = arith.constant 640 : i32
      %mul3A_19 = arith.muli %arg1, %mul3A_18 : i32
      "tpu.region"() ({
        %run_scoped3A = tpu.sem_alloc : memref<!tpu.dma_semaphore, #tpu.memory_space<semaphore_mem>>
        %dma_start3A = arith.constant 0 : i32
        %dma_start3A_20 = tpu.memref_slice %arg6[%mul3A_19, %dma_start3A] : memref<10240x128xf32, #tpu.memory_space<hbm>> -> memref<640x128xf32, #tpu.memory_space<hbm>>
        %dma_start3A_21 = arith.constant 0 : i32
        %dma_start3A_22 = tpu.memref_slice %arg11[%mul3A_17, %dma_start3A_21] : memref<10240x128xf32, #tpu.memory_space<vmem_shared>> -> memref<640x128xf32, #tpu.memory_space<vmem_shared>>
        tpu.enqueue_dma source(%dma_start3A_22 : memref<640x128xf32, #tpu.memory_space<vmem_shared>>) target(%dma_start3A_20 : memref<640x128xf32, #tpu.memory_space<hbm>>) target_semaphore(%run_scoped3A : memref<!tpu.dma_semaphore, #tpu.memory_space<semaphore_mem>>)
        %dma_wait3A = arith.constant 0 : i32
        %dma_wait3A_23 = tpu.memref_slice %arg6[%mul3A_19, %dma_wait3A] : memref<10240x128xf32, #tpu.memory_space<hbm>> -> memref<640x128xf32, #tpu.memory_space<hbm>>
        %dma_wait3A_24 = arith.constant 0 : i32
        %dma_wait3A_25 = tpu.memref_slice %arg11[%mul3A_17, %dma_wait3A_24] : memref<10240x128xf32, #tpu.memory_space<vmem_shared>> -> memref<640x128xf32, #tpu.memory_space<vmem_shared>>
        tpu.wait_dma2 semaphore(%run_scoped3A : memref<!tpu.dma_semaphore, #tpu.memory_space<semaphore_mem>>) src(%dma_wait3A_25 : memref<640x128xf32, #tpu.memory_space<vmem_shared>>) dst(%dma_wait3A_23 : memref<640x128xf32, #tpu.memory_space<hbm>>)
        tpu.yield
      }) : () -> ()
    } else {
    }
    %eq3A_11 = arith.constant 1 : i32
    %eq3A_12 = arith.cmpi eq, %arg0, %eq3A_11 : i32
    %convert_element_type3A_13 = arith.extui %eq3A_12 : i1 to i32
    %cond3A_14 = arith.constant 0 : i32
    %cond3A_15 = arith.cmpi ne, %convert_element_type3A_13, %cond3A_14 : i32
    scf.if %cond3A_15 {
      %mul3A_16 = arith.constant 640 : i32
      %mul3A_17 = arith.muli %arg1, %mul3A_16 : i32
      %mul3A_18 = arith.constant 640 : i32
      %mul3A_19 = arith.muli %arg1, %mul3A_18 : i32
      "tpu.region"() ({
        %run_scoped3A = tpu.sem_alloc : memref<!tpu.dma_semaphore, #tpu.memory_space<semaphore_mem>>
        %dma_start3A = arith.constant 0 : i32
        %dma_start3A_20 = tpu.memref_slice %arg7[%mul3A_19, %dma_start3A] : memref<10240x128xf32, #tpu.memory_space<hbm>> -> memref<640x128xf32, #tpu.memory_space<hbm>>
        %dma_start3A_21 = arith.constant 0 : i32
        %dma_start3A_22 = tpu.memref_slice %arg11[%mul3A_17, %dma_start3A_21] : memref<10240x128xf32, #tpu.memory_space<vmem_shared>> -> memref<640x128xf32, #tpu.memory_space<vmem_shared>>
        tpu.enqueue_dma source(%dma_start3A_22 : memref<640x128xf32, #tpu.memory_space<vmem_shared>>) target(%dma_start3A_20 : memref<640x128xf32, #tpu.memory_space<hbm>>) target_semaphore(%run_scoped3A : memref<!tpu.dma_semaphore, #tpu.memory_space<semaphore_mem>>)
        %dma_wait3A = arith.constant 0 : i32
        %dma_wait3A_23 = tpu.memref_slice %arg7[%mul3A_19, %dma_wait3A] : memref<10240x128xf32, #tpu.memory_space<hbm>> -> memref<640x128xf32, #tpu.memory_space<hbm>>
        %dma_wait3A_24 = arith.constant 0 : i32
        %dma_wait3A_25 = tpu.memref_slice %arg11[%mul3A_17, %dma_wait3A_24] : memref<10240x128xf32, #tpu.memory_space<vmem_shared>> -> memref<640x128xf32, #tpu.memory_space<vmem_shared>>
        tpu.wait_dma2 semaphore(%run_scoped3A : memref<!tpu.dma_semaphore, #tpu.memory_space<semaphore_mem>>) src(%dma_wait3A_25 : memref<640x128xf32, #tpu.memory_space<vmem_shared>>) dst(%dma_wait3A_23 : memref<640x128xf32, #tpu.memory_space<hbm>>)
        tpu.yield
      }) : () -> ()
    } else {
    }
    return
  }
}

#map = affine_map<(d0, d1) -> (0, 0)>
#map1 = affine_map<(d0, d1) -> (0, 0, 0)>
module attributes {stable_mosaic.version = 14 : i64} {
  func.func @body(%arg0: i32, %arg1: i32, %arg2: memref<10240x128xf32, #tpu.memory_space<hbm>>, %arg3: memref<32x79x128xi32, #tpu.memory_space<hbm>>, %arg4: memref<32x79x128xi32, #tpu.memory_space<hbm>>, %arg5: memref<640x128xf32, #tpu.memory_space<hbm>>, %arg6: memref<10240x128xf32, #tpu.memory_space<hbm>>, %arg7: memref<10240x128xf32, #tpu.memory_space<hbm>>, %arg8: memref<79x128xi32, #tpu.memory_space<vmem>>, %arg9: memref<79x128xi32, #tpu.memory_space<vmem>>, %arg10: memref<128x128xf32, #tpu.memory_space<vmem>>, %arg11: memref<10240x128xf32, #tpu.memory_space<vmem_shared>>, %arg12: memref<!tpu.dma_semaphore, #tpu.memory_space<semaphore_mem>>) attributes {dimension_semantics = [#tpu.dimension_semantics<core_parallel>, #tpu.dimension_semantics<subcore_parallel>], iteration_bounds = array<i64: 2, 16>, scalar_prefetch = 0 : i64, scratch_operands = 5 : i64, tpu.core_type = #tpu.core_type<sc_vector_subcore>, window_params = [{transform_indices = #map}, {transform_indices = #map1}, {transform_indices = #map1}, {transform_indices = #map}, {transform_indices = #map}, {transform_indices = #map}]} {
    %mul3A = arith.constant 16 : i32
    %mul3A_0 = arith.muli %arg0, %mul3A : i32
    %add3A = arith.addi %mul3A_0, %arg1 : i32
    %mul3A_1 = arith.constant 640 : i32
    %mul3A_2 = arith.muli %arg1, %mul3A_1 : i32
    "tpu.region"() ({
      %run_scoped3A = tpu.sem_alloc : memref<!tpu.dma_semaphore, #tpu.memory_space<semaphore_mem>>
      %dma_start3A = arith.constant 0 : i32
      %dma_start3A_16 = tpu.memref_slice %arg11[%mul3A_2, %dma_start3A] : memref<10240x128xf32, #tpu.memory_space<vmem_shared>> -> memref<640x128xf32, #tpu.memory_space<vmem_shared>>
      tpu.enqueue_dma source(%arg5 : memref<640x128xf32, #tpu.memory_space<hbm>>) target(%dma_start3A_16 : memref<640x128xf32, #tpu.memory_space<vmem_shared>>) target_semaphore(%run_scoped3A : memref<!tpu.dma_semaphore, #tpu.memory_space<semaphore_mem>>)
      %dma_wait3A = arith.constant 0 : i32
      %dma_wait3A_17 = tpu.memref_slice %arg11[%mul3A_2, %dma_wait3A] : memref<10240x128xf32, #tpu.memory_space<vmem_shared>> -> memref<640x128xf32, #tpu.memory_space<vmem_shared>>
      tpu.wait_dma2 semaphore(%run_scoped3A : memref<!tpu.dma_semaphore, #tpu.memory_space<semaphore_mem>>) src(%arg5 : memref<640x128xf32, #tpu.memory_space<hbm>>) dst(%dma_wait3A_17 : memref<640x128xf32, #tpu.memory_space<vmem_shared>>)
      tpu.yield
    }) : () -> ()
    "tpu.region"() ({
      %run_scoped3A = tpu.sem_alloc : memref<!tpu.dma_semaphore, #tpu.memory_space<semaphore_mem>>
      %dma_start3A = arith.constant 0 : i32
      %dma_start3A_16 = arith.constant 0 : i32
      %dma_start3A_17 = tpu.memref_slice %arg3[%add3A, %dma_start3A, %dma_start3A_16] : memref<32x79x128xi32, #tpu.memory_space<hbm>> -> memref<1x79x128xi32, #tpu.memory_space<hbm>>
      %dma_start3A_18 = tpu.memref_squeeze %dma_start3A_17 : memref<1x79x128xi32, #tpu.memory_space<hbm>> -> memref<79x128xi32, #tpu.memory_space<hbm>>
      %dma_start3A_19 = arith.constant 0 : i32
      %dma_start3A_20 = arith.constant 0 : i32
      %dma_start3A_21 = tpu.memref_slice %arg3[%add3A, %dma_start3A_19, %dma_start3A_20] : memref<32x79x128xi32, #tpu.memory_space<hbm>> -> memref<1x79x128xi32, #tpu.memory_space<hbm>>
      %dma_start3A_22 = tpu.memref_squeeze %dma_start3A_21 : memref<1x79x128xi32, #tpu.memory_space<hbm>> -> memref<79x128xi32, #tpu.memory_space<hbm>>
      tpu.enqueue_dma source(%dma_start3A_22 : memref<79x128xi32, #tpu.memory_space<hbm>>) target(%arg8 : memref<79x128xi32, #tpu.memory_space<vmem>>) target_semaphore(%run_scoped3A : memref<!tpu.dma_semaphore, #tpu.memory_space<semaphore_mem>>)
      %dma_wait3A = arith.constant 0 : i32
      %dma_wait3A_23 = arith.constant 0 : i32
      %dma_wait3A_24 = tpu.memref_slice %arg3[%add3A, %dma_wait3A, %dma_wait3A_23] : memref<32x79x128xi32, #tpu.memory_space<hbm>> -> memref<1x79x128xi32, #tpu.memory_space<hbm>>
      %dma_wait3A_25 = tpu.memref_squeeze %dma_wait3A_24 : memref<1x79x128xi32, #tpu.memory_space<hbm>> -> memref<79x128xi32, #tpu.memory_space<hbm>>
      %dma_wait3A_26 = arith.constant 0 : i32
      %dma_wait3A_27 = arith.constant 0 : i32
      %dma_wait3A_28 = tpu.memref_slice %arg3[%add3A, %dma_wait3A_26, %dma_wait3A_27] : memref<32x79x128xi32, #tpu.memory_space<hbm>> -> memref<1x79x128xi32, #tpu.memory_space<hbm>>
      %dma_wait3A_29 = tpu.memref_squeeze %dma_wait3A_28 : memref<1x79x128xi32, #tpu.memory_space<hbm>> -> memref<79x128xi32, #tpu.memory_space<hbm>>
      tpu.wait_dma2 semaphore(%run_scoped3A : memref<!tpu.dma_semaphore, #tpu.memory_space<semaphore_mem>>) src(%dma_wait3A_29 : memref<79x128xi32, #tpu.memory_space<hbm>>) dst(%arg8 : memref<79x128xi32, #tpu.memory_space<vmem>>)
      tpu.yield
    }) : () -> ()
    "tpu.region"() ({
      %run_scoped3A = tpu.sem_alloc : memref<!tpu.dma_semaphore, #tpu.memory_space<semaphore_mem>>
      %dma_start3A = arith.constant 0 : i32
      %dma_start3A_16 = arith.constant 0 : i32
      %dma_start3A_17 = tpu.memref_slice %arg4[%add3A, %dma_start3A, %dma_start3A_16] : memref<32x79x128xi32, #tpu.memory_space<hbm>> -> memref<1x79x128xi32, #tpu.memory_space<hbm>>
      %dma_start3A_18 = tpu.memref_squeeze %dma_start3A_17 : memref<1x79x128xi32, #tpu.memory_space<hbm>> -> memref<79x128xi32, #tpu.memory_space<hbm>>
      %dma_start3A_19 = arith.constant 0 : i32
      %dma_start3A_20 = arith.constant 0 : i32
      %dma_start3A_21 = tpu.memref_slice %arg4[%add3A, %dma_start3A_19, %dma_start3A_20] : memref<32x79x128xi32, #tpu.memory_space<hbm>> -> memref<1x79x128xi32, #tpu.memory_space<hbm>>
      %dma_start3A_22 = tpu.memref_squeeze %dma_start3A_21 : memref<1x79x128xi32, #tpu.memory_space<hbm>> -> memref<79x128xi32, #tpu.memory_space<hbm>>
      tpu.enqueue_dma source(%dma_start3A_22 : memref<79x128xi32, #tpu.memory_space<hbm>>) target(%arg9 : memref<79x128xi32, #tpu.memory_space<vmem>>) target_semaphore(%run_scoped3A : memref<!tpu.dma_semaphore, #tpu.memory_space<semaphore_mem>>)
      %dma_wait3A = arith.constant 0 : i32
      %dma_wait3A_23 = arith.constant 0 : i32
      %dma_wait3A_24 = tpu.memref_slice %arg4[%add3A, %dma_wait3A, %dma_wait3A_23] : memref<32x79x128xi32, #tpu.memory_space<hbm>> -> memref<1x79x128xi32, #tpu.memory_space<hbm>>
      %dma_wait3A_25 = tpu.memref_squeeze %dma_wait3A_24 : memref<1x79x128xi32, #tpu.memory_space<hbm>> -> memref<79x128xi32, #tpu.memory_space<hbm>>
      %dma_wait3A_26 = arith.constant 0 : i32
      %dma_wait3A_27 = arith.constant 0 : i32
      %dma_wait3A_28 = tpu.memref_slice %arg4[%add3A, %dma_wait3A_26, %dma_wait3A_27] : memref<32x79x128xi32, #tpu.memory_space<hbm>> -> memref<1x79x128xi32, #tpu.memory_space<hbm>>
      %dma_wait3A_29 = tpu.memref_squeeze %dma_wait3A_28 : memref<1x79x128xi32, #tpu.memory_space<hbm>> -> memref<79x128xi32, #tpu.memory_space<hbm>>
      tpu.wait_dma2 semaphore(%run_scoped3A : memref<!tpu.dma_semaphore, #tpu.memory_space<semaphore_mem>>) src(%dma_wait3A_29 : memref<79x128xi32, #tpu.memory_space<hbm>>) dst(%arg9 : memref<79x128xi32, #tpu.memory_space<vmem>>)
      tpu.yield
    }) : () -> ()
    %barrier3A = arith.constant 0 : index
    tpu.barrier barrier_id(%barrier3A)
    %scan3A = arith.constant 0 : i32
    %scan3A_3 = arith.constant 0 : i32
    %scan3A_4 = arith.constant 79 : i32
    %scan3A_5 = arith.addi %scan3A_3, %scan3A_4 : i32
    %scan3A_6 = arith.constant 1 : i32
    scf.for %scan3A_16 = %scan3A_3 to %scan3A_5 step %scan3A_6  : i32 {
      %dma_start3A = arith.constant 0 : i32
      %dma_start3A_17 = tpu.memref_slice %arg8[%scan3A_16, %dma_start3A] : memref<79x128xi32, #tpu.memory_space<vmem>> -> memref<1x128xi32, #tpu.memory_space<vmem>>
      %dma_start3A_18 = tpu.memref_squeeze %dma_start3A_17 : memref<1x128xi32, #tpu.memory_space<vmem>> -> memref<128xi32, #tpu.memory_space<vmem>>
      %dma_start3A_19 = arith.constant 0 : i32
      %dma_start3A_20 = arith.constant 0 : i32
      %dma_start3A_21 = tpu.memref_slice %arg2[%dma_start3A_19, %dma_start3A_20] : memref<10240x128xf32, #tpu.memory_space<hbm>> -> memref<10240x128xf32, #tpu.memory_space<hbm>>
      tpu.enqueue_indirect_dma source(%dma_start3A_21 : memref<10240x128xf32, #tpu.memory_space<hbm>>) target(%arg10 : memref<128x128xf32, #tpu.memory_space<vmem>>) offsets(%dma_start3A_18 : memref<128xi32, #tpu.memory_space<vmem>>) semaphore(%arg12 : memref<!tpu.dma_semaphore, #tpu.memory_space<semaphore_mem>>)
      %dma_wait3A = arith.constant 0 : i32
      %dma_wait3A_22 = tpu.memref_slice %arg8[%scan3A_16, %dma_wait3A] : memref<79x128xi32, #tpu.memory_space<vmem>> -> memref<1x128xi32, #tpu.memory_space<vmem>>
      %dma_wait3A_23 = tpu.memref_squeeze %dma_wait3A_22 : memref<1x128xi32, #tpu.memory_space<vmem>> -> memref<128xi32, #tpu.memory_space<vmem>>
      %dma_wait3A_24 = arith.constant 0 : i32
      %dma_wait3A_25 = arith.constant 0 : i32
      %dma_wait3A_26 = tpu.memref_slice %arg2[%dma_wait3A_24, %dma_wait3A_25] : memref<10240x128xf32, #tpu.memory_space<hbm>> -> memref<10240x128xf32, #tpu.memory_space<hbm>>
      tpu.wait_indirect_dma semaphore(%arg12 : memref<!tpu.dma_semaphore, #tpu.memory_space<semaphore_mem>>) src(%dma_wait3A_26 : memref<10240x128xf32, #tpu.memory_space<hbm>>) dst(%arg10 : memref<128x128xf32, #tpu.memory_space<vmem>>)
      "tpu.region"() ({
        %run_scoped3A = tpu.sem_alloc : memref<!tpu.dma_semaphore, #tpu.memory_space<semaphore_mem>>
        %dma_start3A_27 = arith.constant 0 : i32
        %dma_start3A_28 = tpu.memref_slice %arg9[%scan3A_16, %dma_start3A_27] : memref<79x128xi32, #tpu.memory_space<vmem>> -> memref<1x128xi32, #tpu.memory_space<vmem>>
        %dma_start3A_29 = tpu.memref_squeeze %dma_start3A_28 : memref<1x128xi32, #tpu.memory_space<vmem>> -> memref<128xi32, #tpu.memory_space<vmem>>
        %dma_start3A_30 = arith.constant 0 : i32
        %dma_start3A_31 = arith.constant 0 : i32
        %dma_start3A_32 = tpu.memref_slice %arg11[%dma_start3A_30, %dma_start3A_31] : memref<10240x128xf32, #tpu.memory_space<vmem_shared>> -> memref<10240x128xf32, #tpu.memory_space<vmem_shared>>
        tpu.enqueue_indirect_dma source(%arg10 : memref<128x128xf32, #tpu.memory_space<vmem>>) target(%dma_start3A_32 : memref<10240x128xf32, #tpu.memory_space<vmem_shared>>) offsets(%dma_start3A_29 : memref<128xi32, #tpu.memory_space<vmem>>) semaphore(%run_scoped3A : memref<!tpu.dma_semaphore, #tpu.memory_space<semaphore_mem>>) {add = true}
        %dma_wait3A_33 = arith.constant 0 : i32
        %dma_wait3A_34 = tpu.memref_slice %arg9[%scan3A_16, %dma_wait3A_33] : memref<79x128xi32, #tpu.memory_space<vmem>> -> memref<1x128xi32, #tpu.memory_space<vmem>>
        %dma_wait3A_35 = tpu.memref_squeeze %dma_wait3A_34 : memref<1x128xi32, #tpu.memory_space<vmem>> -> memref<128xi32, #tpu.memory_space<vmem>>
        %dma_wait3A_36 = arith.constant 0 : i32
        %dma_wait3A_37 = arith.constant 0 : i32
        %dma_wait3A_38 = tpu.memref_slice %arg11[%dma_wait3A_36, %dma_wait3A_37] : memref<10240x128xf32, #tpu.memory_space<vmem_shared>> -> memref<10240x128xf32, #tpu.memory_space<vmem_shared>>
        tpu.wait_indirect_dma semaphore(%run_scoped3A : memref<!tpu.dma_semaphore, #tpu.memory_space<semaphore_mem>>) src(%arg10 : memref<128x128xf32, #tpu.memory_space<vmem>>) dst(%dma_wait3A_38 : memref<10240x128xf32, #tpu.memory_space<vmem_shared>>)
        tpu.yield
      }) : () -> ()
    }
    %scan3A_7 = arith.constant 79 : i32
    %barrier3A_8 = arith.constant 0 : index
    tpu.barrier barrier_id(%barrier3A_8)
    %eq3A = arith.constant 0 : i32
    %eq3A_9 = arith.cmpi eq, %arg0, %eq3A : i32
    %convert_element_type3A = arith.extui %eq3A_9 : i1 to i32
    %cond3A = arith.constant 0 : i32
    %cond3A_10 = arith.cmpi ne, %convert_element_type3A, %cond3A : i32
    scf.if %cond3A_10 {
      %mul3A_16 = arith.constant 640 : i32
      %mul3A_17 = arith.muli %arg1, %mul3A_16 : i32
      %mul3A_18 = arith.constant 640 : i32
      %mul3A_19 = arith.muli %arg1, %mul3A_18 : i32
      "tpu.region"() ({
        %run_scoped3A = tpu.sem_alloc : memref<!tpu.dma_semaphore, #tpu.memory_space<semaphore_mem>>
        %dma_start3A = arith.constant 0 : i32
        %dma_start3A_20 = tpu.memref_slice %arg6[%mul3A_19, %dma_start3A] : memref<10240x128xf32, #tpu.memory_space<hbm>> -> memref<640x128xf32, #tpu.memory_space<hbm>>
        %dma_start3A_21 = arith.constant 0 : i32
        %dma_start3A_22 = tpu.memref_slice %arg11[%mul3A_17, %dma_start3A_21] : memref<10240x128xf32, #tpu.memory_space<vmem_shared>> -> memref<640x128xf32, #tpu.memory_space<vmem_shared>>
        tpu.enqueue_dma source(%dma_start3A_22 : memref<640x128xf32, #tpu.memory_space<vmem_shared>>) target(%dma_start3A_20 : memref<640x128xf32, #tpu.memory_space<hbm>>) target_semaphore(%run_scoped3A : memref<!tpu.dma_semaphore, #tpu.memory_space<semaphore_mem>>)
        %dma_wait3A = arith.constant 0 : i32
        %dma_wait3A_23 = tpu.memref_slice %arg6[%mul3A_19, %dma_wait3A] : memref<10240x128xf32, #tpu.memory_space<hbm>> -> memref<640x128xf32, #tpu.memory_space<hbm>>
        %dma_wait3A_24 = arith.constant 0 : i32
        %dma_wait3A_25 = tpu.memref_slice %arg11[%mul3A_17, %dma_wait3A_24] : memref<10240x128xf32, #tpu.memory_space<vmem_shared>> -> memref<640x128xf32, #tpu.memory_space<vmem_shared>>
        tpu.wait_dma2 semaphore(%run_scoped3A : memref<!tpu.dma_semaphore, #tpu.memory_space<semaphore_mem>>) src(%dma_wait3A_25 : memref<640x128xf32, #tpu.memory_space<vmem_shared>>) dst(%dma_wait3A_23 : memref<640x128xf32, #tpu.memory_space<hbm>>)
        tpu.yield
      }) : () -> ()
    } else {
    }
    %eq3A_11 = arith.constant 1 : i32
    %eq3A_12 = arith.cmpi eq, %arg0, %eq3A_11 : i32
    %convert_element_type3A_13 = arith.extui %eq3A_12 : i1 to i32
    %cond3A_14 = arith.constant 0 : i32
    %cond3A_15 = arith.cmpi ne, %convert_element_type3A_13, %cond3A_14 : i32
    scf.if %cond3A_15 {
      %mul3A_16 = arith.constant 640 : i32
      %mul3A_17 = arith.muli %arg1, %mul3A_16 : i32
      %mul3A_18 = arith.constant 640 : i32
      %mul3A_19 = arith.muli %arg1, %mul3A_18 : i32
      "tpu.region"() ({
        %run_scoped3A = tpu.sem_alloc : memref<!tpu.dma_semaphore, #tpu.memory_space<semaphore_mem>>
        %dma_start3A = arith.constant 0 : i32
        %dma_start3A_20 = tpu.memref_slice %arg7[%mul3A_19, %dma_start3A] : memref<10240x128xf32, #tpu.memory_space<hbm>> -> memref<640x128xf32, #tpu.memory_space<hbm>>
        %dma_start3A_21 = arith.constant 0 : i32
        %dma_start3A_22 = tpu.memref_slice %arg11[%mul3A_17, %dma_start3A_21] : memref<10240x128xf32, #tpu.memory_space<vmem_shared>> -> memref<640x128xf32, #tpu.memory_space<vmem_shared>>
        tpu.enqueue_dma source(%dma_start3A_22 : memref<640x128xf32, #tpu.memory_space<vmem_shared>>) target(%dma_start3A_20 : memref<640x128xf32, #tpu.memory_space<hbm>>) target_semaphore(%run_scoped3A : memref<!tpu.dma_semaphore, #tpu.memory_space<semaphore_mem>>)
        %dma_wait3A = arith.constant 0 : i32
        %dma_wait3A_23 = tpu.memref_slice %arg7[%mul3A_19, %dma_wait3A] : memref<10240x128xf32, #tpu.memory_space<hbm>> -> memref<640x128xf32, #tpu.memory_space<hbm>>
        %dma_wait3A_24 = arith.constant 0 : i32
        %dma_wait3A_25 = tpu.memref_slice %arg11[%mul3A_17, %dma_wait3A_24] : memref<10240x128xf32, #tpu.memory_space<vmem_shared>> -> memref<640x128xf32, #tpu.memory_space<vmem_shared>>
        tpu.wait_dma2 semaphore(%run_scoped3A : memref<!tpu.dma_semaphore, #tpu.memory_space<semaphore_mem>>) src(%dma_wait3A_25 : memref<640x128xf32, #tpu.memory_space<vmem_shared>>) dst(%dma_wait3A_23 : memref<640x128xf32, #tpu.memory_space<hbm>>)
        tpu.yield
      }) : () -> ()
    } else {
    }
    return
  }
}

#map = affine_map<(d0, d1) -> (0, 0)>
#map1 = affine_map<(d0, d1) -> (0, 0, 0)>
module attributes {stable_mosaic.version = 14 : i64} {
  func.func @body(%arg0: i32, %arg1: i32, %arg2: memref<10240x128xf32, #tpu.memory_space<hbm>>, %arg3: memref<32x79x128xi32, #tpu.memory_space<hbm>>, %arg4: memref<32x79x128xi32, #tpu.memory_space<hbm>>, %arg5: memref<640x128xf32, #tpu.memory_space<hbm>>, %arg6: memref<10240x128xf32, #tpu.memory_space<hbm>>, %arg7: memref<10240x128xf32, #tpu.memory_space<hbm>>, %arg8: memref<79x128xi32, #tpu.memory_space<vmem>>, %arg9: memref<79x128xi32, #tpu.memory_space<vmem>>, %arg10: memref<128x128xf32, #tpu.memory_space<vmem>>, %arg11: memref<10240x128xf32, #tpu.memory_space<vmem_shared>>, %arg12: memref<!tpu.dma_semaphore, #tpu.memory_space<semaphore_mem>>) attributes {dimension_semantics = [#tpu.dimension_semantics<core_parallel>, #tpu.dimension_semantics<subcore_parallel>], iteration_bounds = array<i64: 2, 16>, scalar_prefetch = 0 : i64, scratch_operands = 5 : i64, tpu.core_type = #tpu.core_type<sc_vector_subcore>, window_params = [{transform_indices = #map}, {transform_indices = #map1}, {transform_indices = #map1}, {transform_indices = #map}, {transform_indices = #map}, {transform_indices = #map}]} {
    %mul3A = arith.constant 16 : i32
    %mul3A_0 = arith.muli %arg0, %mul3A : i32
    %add3A = arith.addi %mul3A_0, %arg1 : i32
    %mul3A_1 = arith.constant 640 : i32
    %mul3A_2 = arith.muli %arg1, %mul3A_1 : i32
    "tpu.region"() ({
      %run_scoped3A = tpu.sem_alloc : memref<!tpu.dma_semaphore, #tpu.memory_space<semaphore_mem>>
      %dma_start3A = arith.constant 0 : i32
      %dma_start3A_16 = tpu.memref_slice %arg11[%mul3A_2, %dma_start3A] : memref<10240x128xf32, #tpu.memory_space<vmem_shared>> -> memref<640x128xf32, #tpu.memory_space<vmem_shared>>
      tpu.enqueue_dma source(%arg5 : memref<640x128xf32, #tpu.memory_space<hbm>>) target(%dma_start3A_16 : memref<640x128xf32, #tpu.memory_space<vmem_shared>>) target_semaphore(%run_scoped3A : memref<!tpu.dma_semaphore, #tpu.memory_space<semaphore_mem>>)
      %dma_wait3A = arith.constant 0 : i32
      %dma_wait3A_17 = tpu.memref_slice %arg11[%mul3A_2, %dma_wait3A] : memref<10240x128xf32, #tpu.memory_space<vmem_shared>> -> memref<640x128xf32, #tpu.memory_space<vmem_shared>>
      tpu.wait_dma2 semaphore(%run_scoped3A : memref<!tpu.dma_semaphore, #tpu.memory_space<semaphore_mem>>) src(%arg5 : memref<640x128xf32, #tpu.memory_space<hbm>>) dst(%dma_wait3A_17 : memref<640x128xf32, #tpu.memory_space<vmem_shared>>)
      tpu.yield
    }) : () -> ()
    "tpu.region"() ({
      %run_scoped3A = tpu.sem_alloc : memref<!tpu.dma_semaphore, #tpu.memory_space<semaphore_mem>>
      %dma_start3A = arith.constant 0 : i32
      %dma_start3A_16 = arith.constant 0 : i32
      %dma_start3A_17 = tpu.memref_slice %arg3[%add3A, %dma_start3A, %dma_start3A_16] : memref<32x79x128xi32, #tpu.memory_space<hbm>> -> memref<1x79x128xi32, #tpu.memory_space<hbm>>
      %dma_start3A_18 = tpu.memref_squeeze %dma_start3A_17 : memref<1x79x128xi32, #tpu.memory_space<hbm>> -> memref<79x128xi32, #tpu.memory_space<hbm>>
      %dma_start3A_19 = arith.constant 0 : i32
      %dma_start3A_20 = arith.constant 0 : i32
      %dma_start3A_21 = tpu.memref_slice %arg3[%add3A, %dma_start3A_19, %dma_start3A_20] : memref<32x79x128xi32, #tpu.memory_space<hbm>> -> memref<1x79x128xi32, #tpu.memory_space<hbm>>
      %dma_start3A_22 = tpu.memref_squeeze %dma_start3A_21 : memref<1x79x128xi32, #tpu.memory_space<hbm>> -> memref<79x128xi32, #tpu.memory_space<hbm>>
      tpu.enqueue_dma source(%dma_start3A_22 : memref<79x128xi32, #tpu.memory_space<hbm>>) target(%arg8 : memref<79x128xi32, #tpu.memory_space<vmem>>) target_semaphore(%run_scoped3A : memref<!tpu.dma_semaphore, #tpu.memory_space<semaphore_mem>>)
      %dma_wait3A = arith.constant 0 : i32
      %dma_wait3A_23 = arith.constant 0 : i32
      %dma_wait3A_24 = tpu.memref_slice %arg3[%add3A, %dma_wait3A, %dma_wait3A_23] : memref<32x79x128xi32, #tpu.memory_space<hbm>> -> memref<1x79x128xi32, #tpu.memory_space<hbm>>
      %dma_wait3A_25 = tpu.memref_squeeze %dma_wait3A_24 : memref<1x79x128xi32, #tpu.memory_space<hbm>> -> memref<79x128xi32, #tpu.memory_space<hbm>>
      %dma_wait3A_26 = arith.constant 0 : i32
      %dma_wait3A_27 = arith.constant 0 : i32
      %dma_wait3A_28 = tpu.memref_slice %arg3[%add3A, %dma_wait3A_26, %dma_wait3A_27] : memref<32x79x128xi32, #tpu.memory_space<hbm>> -> memref<1x79x128xi32, #tpu.memory_space<hbm>>
      %dma_wait3A_29 = tpu.memref_squeeze %dma_wait3A_28 : memref<1x79x128xi32, #tpu.memory_space<hbm>> -> memref<79x128xi32, #tpu.memory_space<hbm>>
      tpu.wait_dma2 semaphore(%run_scoped3A : memref<!tpu.dma_semaphore, #tpu.memory_space<semaphore_mem>>) src(%dma_wait3A_29 : memref<79x128xi32, #tpu.memory_space<hbm>>) dst(%arg8 : memref<79x128xi32, #tpu.memory_space<vmem>>)
      tpu.yield
    }) : () -> ()
    "tpu.region"() ({
      %run_scoped3A = tpu.sem_alloc : memref<!tpu.dma_semaphore, #tpu.memory_space<semaphore_mem>>
      %dma_start3A = arith.constant 0 : i32
      %dma_start3A_16 = arith.constant 0 : i32
      %dma_start3A_17 = tpu.memref_slice %arg4[%add3A, %dma_start3A, %dma_start3A_16] : memref<32x79x128xi32, #tpu.memory_space<hbm>> -> memref<1x79x128xi32, #tpu.memory_space<hbm>>
      %dma_start3A_18 = tpu.memref_squeeze %dma_start3A_17 : memref<1x79x128xi32, #tpu.memory_space<hbm>> -> memref<79x128xi32, #tpu.memory_space<hbm>>
      %dma_start3A_19 = arith.constant 0 : i32
      %dma_start3A_20 = arith.constant 0 : i32
      %dma_start3A_21 = tpu.memref_slice %arg4[%add3A, %dma_start3A_19, %dma_start3A_20] : memref<32x79x128xi32, #tpu.memory_space<hbm>> -> memref<1x79x128xi32, #tpu.memory_space<hbm>>
      %dma_start3A_22 = tpu.memref_squeeze %dma_start3A_21 : memref<1x79x128xi32, #tpu.memory_space<hbm>> -> memref<79x128xi32, #tpu.memory_space<hbm>>
      tpu.enqueue_dma source(%dma_start3A_22 : memref<79x128xi32, #tpu.memory_space<hbm>>) target(%arg9 : memref<79x128xi32, #tpu.memory_space<vmem>>) target_semaphore(%run_scoped3A : memref<!tpu.dma_semaphore, #tpu.memory_space<semaphore_mem>>)
      %dma_wait3A = arith.constant 0 : i32
      %dma_wait3A_23 = arith.constant 0 : i32
      %dma_wait3A_24 = tpu.memref_slice %arg4[%add3A, %dma_wait3A, %dma_wait3A_23] : memref<32x79x128xi32, #tpu.memory_space<hbm>> -> memref<1x79x128xi32, #tpu.memory_space<hbm>>
      %dma_wait3A_25 = tpu.memref_squeeze %dma_wait3A_24 : memref<1x79x128xi32, #tpu.memory_space<hbm>> -> memref<79x128xi32, #tpu.memory_space<hbm>>
      %dma_wait3A_26 = arith.constant 0 : i32
      %dma_wait3A_27 = arith.constant 0 : i32
      %dma_wait3A_28 = tpu.memref_slice %arg4[%add3A, %dma_wait3A_26, %dma_wait3A_27] : memref<32x79x128xi32, #tpu.memory_space<hbm>> -> memref<1x79x128xi32, #tpu.memory_space<hbm>>
      %dma_wait3A_29 = tpu.memref_squeeze %dma_wait3A_28 : memref<1x79x128xi32, #tpu.memory_space<hbm>> -> memref<79x128xi32, #tpu.memory_space<hbm>>
      tpu.wait_dma2 semaphore(%run_scoped3A : memref<!tpu.dma_semaphore, #tpu.memory_space<semaphore_mem>>) src(%dma_wait3A_29 : memref<79x128xi32, #tpu.memory_space<hbm>>) dst(%arg9 : memref<79x128xi32, #tpu.memory_space<vmem>>)
      tpu.yield
    }) : () -> ()
    %barrier3A = arith.constant 0 : index
    tpu.barrier barrier_id(%barrier3A)
    %scan3A = arith.constant 0 : i32
    %scan3A_3 = arith.constant 0 : i32
    %scan3A_4 = arith.constant 79 : i32
    %scan3A_5 = arith.addi %scan3A_3, %scan3A_4 : i32
    %scan3A_6 = arith.constant 1 : i32
    scf.for %scan3A_16 = %scan3A_3 to %scan3A_5 step %scan3A_6  : i32 {
      %dma_start3A = arith.constant 0 : i32
      %dma_start3A_17 = tpu.memref_slice %arg8[%scan3A_16, %dma_start3A] : memref<79x128xi32, #tpu.memory_space<vmem>> -> memref<1x128xi32, #tpu.memory_space<vmem>>
      %dma_start3A_18 = tpu.memref_squeeze %dma_start3A_17 : memref<1x128xi32, #tpu.memory_space<vmem>> -> memref<128xi32, #tpu.memory_space<vmem>>
      %dma_start3A_19 = arith.constant 0 : i32
      %dma_start3A_20 = arith.constant 0 : i32
      %dma_start3A_21 = tpu.memref_slice %arg2[%dma_start3A_19, %dma_start3A_20] : memref<10240x128xf32, #tpu.memory_space<hbm>> -> memref<10240x128xf32, #tpu.memory_space<hbm>>
      tpu.enqueue_indirect_dma source(%dma_start3A_21 : memref<10240x128xf32, #tpu.memory_space<hbm>>) target(%arg10 : memref<128x128xf32, #tpu.memory_space<vmem>>) offsets(%dma_start3A_18 : memref<128xi32, #tpu.memory_space<vmem>>) semaphore(%arg12 : memref<!tpu.dma_semaphore, #tpu.memory_space<semaphore_mem>>)
      %dma_wait3A = arith.constant 0 : i32
      %dma_wait3A_22 = tpu.memref_slice %arg8[%scan3A_16, %dma_wait3A] : memref<79x128xi32, #tpu.memory_space<vmem>> -> memref<1x128xi32, #tpu.memory_space<vmem>>
      %dma_wait3A_23 = tpu.memref_squeeze %dma_wait3A_22 : memref<1x128xi32, #tpu.memory_space<vmem>> -> memref<128xi32, #tpu.memory_space<vmem>>
      %dma_wait3A_24 = arith.constant 0 : i32
      %dma_wait3A_25 = arith.constant 0 : i32
      %dma_wait3A_26 = tpu.memref_slice %arg2[%dma_wait3A_24, %dma_wait3A_25] : memref<10240x128xf32, #tpu.memory_space<hbm>> -> memref<10240x128xf32, #tpu.memory_space<hbm>>
      tpu.wait_indirect_dma semaphore(%arg12 : memref<!tpu.dma_semaphore, #tpu.memory_space<semaphore_mem>>) src(%dma_wait3A_26 : memref<10240x128xf32, #tpu.memory_space<hbm>>) dst(%arg10 : memref<128x128xf32, #tpu.memory_space<vmem>>)
      "tpu.region"() ({
        %run_scoped3A = tpu.sem_alloc : memref<!tpu.dma_semaphore, #tpu.memory_space<semaphore_mem>>
        %dma_start3A_27 = arith.constant 0 : i32
        %dma_start3A_28 = tpu.memref_slice %arg9[%scan3A_16, %dma_start3A_27] : memref<79x128xi32, #tpu.memory_space<vmem>> -> memref<1x128xi32, #tpu.memory_space<vmem>>
        %dma_start3A_29 = tpu.memref_squeeze %dma_start3A_28 : memref<1x128xi32, #tpu.memory_space<vmem>> -> memref<128xi32, #tpu.memory_space<vmem>>
        %dma_start3A_30 = arith.constant 0 : i32
        %dma_start3A_31 = arith.constant 0 : i32
        %dma_start3A_32 = tpu.memref_slice %arg11[%dma_start3A_30, %dma_start3A_31] : memref<10240x128xf32, #tpu.memory_space<vmem_shared>> -> memref<10240x128xf32, #tpu.memory_space<vmem_shared>>
        tpu.enqueue_indirect_dma source(%arg10 : memref<128x128xf32, #tpu.memory_space<vmem>>) target(%dma_start3A_32 : memref<10240x128xf32, #tpu.memory_space<vmem_shared>>) offsets(%dma_start3A_29 : memref<128xi32, #tpu.memory_space<vmem>>) semaphore(%run_scoped3A : memref<!tpu.dma_semaphore, #tpu.memory_space<semaphore_mem>>) {add = true}
        %dma_wait3A_33 = arith.constant 0 : i32
        %dma_wait3A_34 = tpu.memref_slice %arg9[%scan3A_16, %dma_wait3A_33] : memref<79x128xi32, #tpu.memory_space<vmem>> -> memref<1x128xi32, #tpu.memory_space<vmem>>
        %dma_wait3A_35 = tpu.memref_squeeze %dma_wait3A_34 : memref<1x128xi32, #tpu.memory_space<vmem>> -> memref<128xi32, #tpu.memory_space<vmem>>
        %dma_wait3A_36 = arith.constant 0 : i32
        %dma_wait3A_37 = arith.constant 0 : i32
        %dma_wait3A_38 = tpu.memref_slice %arg11[%dma_wait3A_36, %dma_wait3A_37] : memref<10240x128xf32, #tpu.memory_space<vmem_shared>> -> memref<10240x128xf32, #tpu.memory_space<vmem_shared>>
        tpu.wait_indirect_dma semaphore(%run_scoped3A : memref<!tpu.dma_semaphore, #tpu.memory_space<semaphore_mem>>) src(%arg10 : memref<128x128xf32, #tpu.memory_space<vmem>>) dst(%dma_wait3A_38 : memref<10240x128xf32, #tpu.memory_space<vmem_shared>>)
        tpu.yield
      }) : () -> ()
    }
    %scan3A_7 = arith.constant 79 : i32
    %barrier3A_8 = arith.constant 0 : index
    tpu.barrier barrier_id(%barrier3A_8)
    %eq3A = arith.constant 0 : i32
    %eq3A_9 = arith.cmpi eq, %arg0, %eq3A : i32
    %convert_element_type3A = arith.extui %eq3A_9 : i1 to i32
    %cond3A = arith.constant 0 : i32
    %cond3A_10 = arith.cmpi ne, %convert_element_type3A, %cond3A : i32
    scf.if %cond3A_10 {
      %mul3A_16 = arith.constant 640 : i32
      %mul3A_17 = arith.muli %arg1, %mul3A_16 : i32
      %mul3A_18 = arith.constant 640 : i32
      %mul3A_19 = arith.muli %arg1, %mul3A_18 : i32
      "tpu.region"() ({
        %run_scoped3A = tpu.sem_alloc : memref<!tpu.dma_semaphore, #tpu.memory_space<semaphore_mem>>
        %dma_start3A = arith.constant 0 : i32
        %dma_start3A_20 = tpu.memref_slice %arg6[%mul3A_19, %dma_start3A] : memref<10240x128xf32, #tpu.memory_space<hbm>> -> memref<640x128xf32, #tpu.memory_space<hbm>>
        %dma_start3A_21 = arith.constant 0 : i32
        %dma_start3A_22 = tpu.memref_slice %arg11[%mul3A_17, %dma_start3A_21] : memref<10240x128xf32, #tpu.memory_space<vmem_shared>> -> memref<640x128xf32, #tpu.memory_space<vmem_shared>>
        tpu.enqueue_dma source(%dma_start3A_22 : memref<640x128xf32, #tpu.memory_space<vmem_shared>>) target(%dma_start3A_20 : memref<640x128xf32, #tpu.memory_space<hbm>>) target_semaphore(%run_scoped3A : memref<!tpu.dma_semaphore, #tpu.memory_space<semaphore_mem>>)
        %dma_wait3A = arith.constant 0 : i32
        %dma_wait3A_23 = tpu.memref_slice %arg6[%mul3A_19, %dma_wait3A] : memref<10240x128xf32, #tpu.memory_space<hbm>> -> memref<640x128xf32, #tpu.memory_space<hbm>>
        %dma_wait3A_24 = arith.constant 0 : i32
        %dma_wait3A_25 = tpu.memref_slice %arg11[%mul3A_17, %dma_wait3A_24] : memref<10240x128xf32, #tpu.memory_space<vmem_shared>> -> memref<640x128xf32, #tpu.memory_space<vmem_shared>>
        tpu.wait_dma2 semaphore(%run_scoped3A : memref<!tpu.dma_semaphore, #tpu.memory_space<semaphore_mem>>) src(%dma_wait3A_25 : memref<640x128xf32, #tpu.memory_space<vmem_shared>>) dst(%dma_wait3A_23 : memref<640x128xf32, #tpu.memory_space<hbm>>)
        tpu.yield
      }) : () -> ()
    } else {
    }
    %eq3A_11 = arith.constant 1 : i32
    %eq3A_12 = arith.cmpi eq, %arg0, %eq3A_11 : i32
    %convert_element_type3A_13 = arith.extui %eq3A_12 : i1 to i32
    %cond3A_14 = arith.constant 0 : i32
    %cond3A_15 = arith.cmpi ne, %convert_element_type3A_13, %cond3A_14 : i32
    scf.if %cond3A_15 {
      %mul3A_16 = arith.constant 640 : i32
      %mul3A_17 = arith.muli %arg1, %mul3A_16 : i32
      %mul3A_18 = arith.constant 640 : i32
      %mul3A_19 = arith.muli %arg1, %mul3A_18 : i32
      "tpu.region"() ({
        %run_scoped3A = tpu.sem_alloc : memref<!tpu.dma_semaphore, #tpu.memory_space<semaphore_mem>>
        %dma_start3A = arith.constant 0 : i32
        %dma_start3A_20 = tpu.memref_slice %arg7[%mul3A_19, %dma_start3A] : memref<10240x128xf32, #tpu.memory_space<hbm>> -> memref<640x128xf32, #tpu.memory_space<hbm>>
        %dma_start3A_21 = arith.constant 0 : i32
        %dma_start3A_22 = tpu.memref_slice %arg11[%mul3A_17, %dma_start3A_21] : memref<10240x128xf32, #tpu.memory_space<vmem_shared>> -> memref<640x128xf32, #tpu.memory_space<vmem_shared>>
        tpu.enqueue_dma source(%dma_start3A_22 : memref<640x128xf32, #tpu.memory_space<vmem_shared>>) target(%dma_start3A_20 : memref<640x128xf32, #tpu.memory_space<hbm>>) target_semaphore(%run_scoped3A : memref<!tpu.dma_semaphore, #tpu.memory_space<semaphore_mem>>)
        %dma_wait3A = arith.constant 0 : i32
        %dma_wait3A_23 = tpu.memref_slice %arg7[%mul3A_19, %dma_wait3A] : memref<10240x128xf32, #tpu.memory_space<hbm>> -> memref<640x128xf32, #tpu.memory_space<hbm>>
        %dma_wait3A_24 = arith.constant 0 : i32
        %dma_wait3A_25 = tpu.memref_slice %arg11[%mul3A_17, %dma_wait3A_24] : memref<10240x128xf32, #tpu.memory_space<vmem_shared>> -> memref<640x128xf32, #tpu.memory_space<vmem_shared>>
        tpu.wait_dma2 semaphore(%run_scoped3A : memref<!tpu.dma_semaphore, #tpu.memory_space<semaphore_mem>>) src(%dma_wait3A_25 : memref<640x128xf32, #tpu.memory_space<vmem_shared>>) dst(%dma_wait3A_23 : memref<640x128xf32, #tpu.memory_space<hbm>>)
        tpu.yield
      }) : () -> ()
    } else {
    }
    return
  }
}

#map = affine_map<(d0, d1) -> (0, 0)>
#map1 = affine_map<(d0, d1) -> (0, 0, 0)>
module attributes {stable_mosaic.version = 14 : i64} {
  func.func @body(%arg0: i32, %arg1: i32, %arg2: memref<10240x128xf32, #tpu.memory_space<hbm>>, %arg3: memref<32x79x128xi32, #tpu.memory_space<hbm>>, %arg4: memref<32x79x128xi32, #tpu.memory_space<hbm>>, %arg5: memref<640x128xf32, #tpu.memory_space<hbm>>, %arg6: memref<10240x128xf32, #tpu.memory_space<hbm>>, %arg7: memref<10240x128xf32, #tpu.memory_space<hbm>>, %arg8: memref<79x128xi32, #tpu.memory_space<vmem>>, %arg9: memref<79x128xi32, #tpu.memory_space<vmem>>, %arg10: memref<128x128xf32, #tpu.memory_space<vmem>>, %arg11: memref<10240x128xf32, #tpu.memory_space<vmem_shared>>, %arg12: memref<!tpu.dma_semaphore, #tpu.memory_space<semaphore_mem>>) attributes {dimension_semantics = [#tpu.dimension_semantics<core_parallel>, #tpu.dimension_semantics<subcore_parallel>], iteration_bounds = array<i64: 2, 16>, scalar_prefetch = 0 : i64, scratch_operands = 5 : i64, tpu.core_type = #tpu.core_type<sc_vector_subcore>, window_params = [{transform_indices = #map}, {transform_indices = #map1}, {transform_indices = #map1}, {transform_indices = #map}, {transform_indices = #map}, {transform_indices = #map}]} {
    %mul3A = arith.constant 16 : i32
    %mul3A_0 = arith.muli %arg0, %mul3A : i32
    %add3A = arith.addi %mul3A_0, %arg1 : i32
    %mul3A_1 = arith.constant 640 : i32
    %mul3A_2 = arith.muli %arg1, %mul3A_1 : i32
    "tpu.region"() ({
      %run_scoped3A = tpu.sem_alloc : memref<!tpu.dma_semaphore, #tpu.memory_space<semaphore_mem>>
      %dma_start3A = arith.constant 0 : i32
      %dma_start3A_16 = tpu.memref_slice %arg11[%mul3A_2, %dma_start3A] : memref<10240x128xf32, #tpu.memory_space<vmem_shared>> -> memref<640x128xf32, #tpu.memory_space<vmem_shared>>
      tpu.enqueue_dma source(%arg5 : memref<640x128xf32, #tpu.memory_space<hbm>>) target(%dma_start3A_16 : memref<640x128xf32, #tpu.memory_space<vmem_shared>>) target_semaphore(%run_scoped3A : memref<!tpu.dma_semaphore, #tpu.memory_space<semaphore_mem>>)
      %dma_wait3A = arith.constant 0 : i32
      %dma_wait3A_17 = tpu.memref_slice %arg11[%mul3A_2, %dma_wait3A] : memref<10240x128xf32, #tpu.memory_space<vmem_shared>> -> memref<640x128xf32, #tpu.memory_space<vmem_shared>>
      tpu.wait_dma2 semaphore(%run_scoped3A : memref<!tpu.dma_semaphore, #tpu.memory_space<semaphore_mem>>) src(%arg5 : memref<640x128xf32, #tpu.memory_space<hbm>>) dst(%dma_wait3A_17 : memref<640x128xf32, #tpu.memory_space<vmem_shared>>)
      tpu.yield
    }) : () -> ()
    "tpu.region"() ({
      %run_scoped3A = tpu.sem_alloc : memref<!tpu.dma_semaphore, #tpu.memory_space<semaphore_mem>>
      %dma_start3A = arith.constant 0 : i32
      %dma_start3A_16 = arith.constant 0 : i32
      %dma_start3A_17 = tpu.memref_slice %arg3[%add3A, %dma_start3A, %dma_start3A_16] : memref<32x79x128xi32, #tpu.memory_space<hbm>> -> memref<1x79x128xi32, #tpu.memory_space<hbm>>
      %dma_start3A_18 = tpu.memref_squeeze %dma_start3A_17 : memref<1x79x128xi32, #tpu.memory_space<hbm>> -> memref<79x128xi32, #tpu.memory_space<hbm>>
      %dma_start3A_19 = arith.constant 0 : i32
      %dma_start3A_20 = arith.constant 0 : i32
      %dma_start3A_21 = tpu.memref_slice %arg3[%add3A, %dma_start3A_19, %dma_start3A_20] : memref<32x79x128xi32, #tpu.memory_space<hbm>> -> memref<1x79x128xi32, #tpu.memory_space<hbm>>
      %dma_start3A_22 = tpu.memref_squeeze %dma_start3A_21 : memref<1x79x128xi32, #tpu.memory_space<hbm>> -> memref<79x128xi32, #tpu.memory_space<hbm>>
      tpu.enqueue_dma source(%dma_start3A_22 : memref<79x128xi32, #tpu.memory_space<hbm>>) target(%arg8 : memref<79x128xi32, #tpu.memory_space<vmem>>) target_semaphore(%run_scoped3A : memref<!tpu.dma_semaphore, #tpu.memory_space<semaphore_mem>>)
      %dma_wait3A = arith.constant 0 : i32
      %dma_wait3A_23 = arith.constant 0 : i32
      %dma_wait3A_24 = tpu.memref_slice %arg3[%add3A, %dma_wait3A, %dma_wait3A_23] : memref<32x79x128xi32, #tpu.memory_space<hbm>> -> memref<1x79x128xi32, #tpu.memory_space<hbm>>
      %dma_wait3A_25 = tpu.memref_squeeze %dma_wait3A_24 : memref<1x79x128xi32, #tpu.memory_space<hbm>> -> memref<79x128xi32, #tpu.memory_space<hbm>>
      %dma_wait3A_26 = arith.constant 0 : i32
      %dma_wait3A_27 = arith.constant 0 : i32
      %dma_wait3A_28 = tpu.memref_slice %arg3[%add3A, %dma_wait3A_26, %dma_wait3A_27] : memref<32x79x128xi32, #tpu.memory_space<hbm>> -> memref<1x79x128xi32, #tpu.memory_space<hbm>>
      %dma_wait3A_29 = tpu.memref_squeeze %dma_wait3A_28 : memref<1x79x128xi32, #tpu.memory_space<hbm>> -> memref<79x128xi32, #tpu.memory_space<hbm>>
      tpu.wait_dma2 semaphore(%run_scoped3A : memref<!tpu.dma_semaphore, #tpu.memory_space<semaphore_mem>>) src(%dma_wait3A_29 : memref<79x128xi32, #tpu.memory_space<hbm>>) dst(%arg8 : memref<79x128xi32, #tpu.memory_space<vmem>>)
      tpu.yield
    }) : () -> ()
    "tpu.region"() ({
      %run_scoped3A = tpu.sem_alloc : memref<!tpu.dma_semaphore, #tpu.memory_space<semaphore_mem>>
      %dma_start3A = arith.constant 0 : i32
      %dma_start3A_16 = arith.constant 0 : i32
      %dma_start3A_17 = tpu.memref_slice %arg4[%add3A, %dma_start3A, %dma_start3A_16] : memref<32x79x128xi32, #tpu.memory_space<hbm>> -> memref<1x79x128xi32, #tpu.memory_space<hbm>>
      %dma_start3A_18 = tpu.memref_squeeze %dma_start3A_17 : memref<1x79x128xi32, #tpu.memory_space<hbm>> -> memref<79x128xi32, #tpu.memory_space<hbm>>
      %dma_start3A_19 = arith.constant 0 : i32
      %dma_start3A_20 = arith.constant 0 : i32
      %dma_start3A_21 = tpu.memref_slice %arg4[%add3A, %dma_start3A_19, %dma_start3A_20] : memref<32x79x128xi32, #tpu.memory_space<hbm>> -> memref<1x79x128xi32, #tpu.memory_space<hbm>>
      %dma_start3A_22 = tpu.memref_squeeze %dma_start3A_21 : memref<1x79x128xi32, #tpu.memory_space<hbm>> -> memref<79x128xi32, #tpu.memory_space<hbm>>
      tpu.enqueue_dma source(%dma_start3A_22 : memref<79x128xi32, #tpu.memory_space<hbm>>) target(%arg9 : memref<79x128xi32, #tpu.memory_space<vmem>>) target_semaphore(%run_scoped3A : memref<!tpu.dma_semaphore, #tpu.memory_space<semaphore_mem>>)
      %dma_wait3A = arith.constant 0 : i32
      %dma_wait3A_23 = arith.constant 0 : i32
      %dma_wait3A_24 = tpu.memref_slice %arg4[%add3A, %dma_wait3A, %dma_wait3A_23] : memref<32x79x128xi32, #tpu.memory_space<hbm>> -> memref<1x79x128xi32, #tpu.memory_space<hbm>>
      %dma_wait3A_25 = tpu.memref_squeeze %dma_wait3A_24 : memref<1x79x128xi32, #tpu.memory_space<hbm>> -> memref<79x128xi32, #tpu.memory_space<hbm>>
      %dma_wait3A_26 = arith.constant 0 : i32
      %dma_wait3A_27 = arith.constant 0 : i32
      %dma_wait3A_28 = tpu.memref_slice %arg4[%add3A, %dma_wait3A_26, %dma_wait3A_27] : memref<32x79x128xi32, #tpu.memory_space<hbm>> -> memref<1x79x128xi32, #tpu.memory_space<hbm>>
      %dma_wait3A_29 = tpu.memref_squeeze %dma_wait3A_28 : memref<1x79x128xi32, #tpu.memory_space<hbm>> -> memref<79x128xi32, #tpu.memory_space<hbm>>
      tpu.wait_dma2 semaphore(%run_scoped3A : memref<!tpu.dma_semaphore, #tpu.memory_space<semaphore_mem>>) src(%dma_wait3A_29 : memref<79x128xi32, #tpu.memory_space<hbm>>) dst(%arg9 : memref<79x128xi32, #tpu.memory_space<vmem>>)
      tpu.yield
    }) : () -> ()
    %barrier3A = arith.constant 0 : index
    tpu.barrier barrier_id(%barrier3A)
    %scan3A = arith.constant 0 : i32
    %scan3A_3 = arith.constant 0 : i32
    %scan3A_4 = arith.constant 79 : i32
    %scan3A_5 = arith.addi %scan3A_3, %scan3A_4 : i32
    %scan3A_6 = arith.constant 1 : i32
    scf.for %scan3A_16 = %scan3A_3 to %scan3A_5 step %scan3A_6  : i32 {
      %dma_start3A = arith.constant 0 : i32
      %dma_start3A_17 = tpu.memref_slice %arg8[%scan3A_16, %dma_start3A] : memref<79x128xi32, #tpu.memory_space<vmem>> -> memref<1x128xi32, #tpu.memory_space<vmem>>
      %dma_start3A_18 = tpu.memref_squeeze %dma_start3A_17 : memref<1x128xi32, #tpu.memory_space<vmem>> -> memref<128xi32, #tpu.memory_space<vmem>>
      %dma_start3A_19 = arith.constant 0 : i32
      %dma_start3A_20 = arith.constant 0 : i32
      %dma_start3A_21 = tpu.memref_slice %arg2[%dma_start3A_19, %dma_start3A_20] : memref<10240x128xf32, #tpu.memory_space<hbm>> -> memref<10240x128xf32, #tpu.memory_space<hbm>>
      tpu.enqueue_indirect_dma source(%dma_start3A_21 : memref<10240x128xf32, #tpu.memory_space<hbm>>) target(%arg10 : memref<128x128xf32, #tpu.memory_space<vmem>>) offsets(%dma_start3A_18 : memref<128xi32, #tpu.memory_space<vmem>>) semaphore(%arg12 : memref<!tpu.dma_semaphore, #tpu.memory_space<semaphore_mem>>)
      %dma_wait3A = arith.constant 0 : i32
      %dma_wait3A_22 = tpu.memref_slice %arg8[%scan3A_16, %dma_wait3A] : memref<79x128xi32, #tpu.memory_space<vmem>> -> memref<1x128xi32, #tpu.memory_space<vmem>>
      %dma_wait3A_23 = tpu.memref_squeeze %dma_wait3A_22 : memref<1x128xi32, #tpu.memory_space<vmem>> -> memref<128xi32, #tpu.memory_space<vmem>>
      %dma_wait3A_24 = arith.constant 0 : i32
      %dma_wait3A_25 = arith.constant 0 : i32
      %dma_wait3A_26 = tpu.memref_slice %arg2[%dma_wait3A_24, %dma_wait3A_25] : memref<10240x128xf32, #tpu.memory_space<hbm>> -> memref<10240x128xf32, #tpu.memory_space<hbm>>
      tpu.wait_indirect_dma semaphore(%arg12 : memref<!tpu.dma_semaphore, #tpu.memory_space<semaphore_mem>>) src(%dma_wait3A_26 : memref<10240x128xf32, #tpu.memory_space<hbm>>) dst(%arg10 : memref<128x128xf32, #tpu.memory_space<vmem>>)
      "tpu.region"() ({
        %run_scoped3A = tpu.sem_alloc : memref<!tpu.dma_semaphore, #tpu.memory_space<semaphore_mem>>
        %dma_start3A_27 = arith.constant 0 : i32
        %dma_start3A_28 = tpu.memref_slice %arg9[%scan3A_16, %dma_start3A_27] : memref<79x128xi32, #tpu.memory_space<vmem>> -> memref<1x128xi32, #tpu.memory_space<vmem>>
        %dma_start3A_29 = tpu.memref_squeeze %dma_start3A_28 : memref<1x128xi32, #tpu.memory_space<vmem>> -> memref<128xi32, #tpu.memory_space<vmem>>
        %dma_start3A_30 = arith.constant 0 : i32
        %dma_start3A_31 = arith.constant 0 : i32
        %dma_start3A_32 = tpu.memref_slice %arg11[%dma_start3A_30, %dma_start3A_31] : memref<10240x128xf32, #tpu.memory_space<vmem_shared>> -> memref<10240x128xf32, #tpu.memory_space<vmem_shared>>
        tpu.enqueue_indirect_dma source(%arg10 : memref<128x128xf32, #tpu.memory_space<vmem>>) target(%dma_start3A_32 : memref<10240x128xf32, #tpu.memory_space<vmem_shared>>) offsets(%dma_start3A_29 : memref<128xi32, #tpu.memory_space<vmem>>) semaphore(%run_scoped3A : memref<!tpu.dma_semaphore, #tpu.memory_space<semaphore_mem>>) {add = true}
        %dma_wait3A_33 = arith.constant 0 : i32
        %dma_wait3A_34 = tpu.memref_slice %arg9[%scan3A_16, %dma_wait3A_33] : memref<79x128xi32, #tpu.memory_space<vmem>> -> memref<1x128xi32, #tpu.memory_space<vmem>>
        %dma_wait3A_35 = tpu.memref_squeeze %dma_wait3A_34 : memref<1x128xi32, #tpu.memory_space<vmem>> -> memref<128xi32, #tpu.memory_space<vmem>>
        %dma_wait3A_36 = arith.constant 0 : i32
        %dma_wait3A_37 = arith.constant 0 : i32
        %dma_wait3A_38 = tpu.memref_slice %arg11[%dma_wait3A_36, %dma_wait3A_37] : memref<10240x128xf32, #tpu.memory_space<vmem_shared>> -> memref<10240x128xf32, #tpu.memory_space<vmem_shared>>
        tpu.wait_indirect_dma semaphore(%run_scoped3A : memref<!tpu.dma_semaphore, #tpu.memory_space<semaphore_mem>>) src(%arg10 : memref<128x128xf32, #tpu.memory_space<vmem>>) dst(%dma_wait3A_38 : memref<10240x128xf32, #tpu.memory_space<vmem_shared>>)
        tpu.yield
      }) : () -> ()
    }
    %scan3A_7 = arith.constant 79 : i32
    %barrier3A_8 = arith.constant 0 : index
    tpu.barrier barrier_id(%barrier3A_8)
    %eq3A = arith.constant 0 : i32
    %eq3A_9 = arith.cmpi eq, %arg0, %eq3A : i32
    %convert_element_type3A = arith.extui %eq3A_9 : i1 to i32
    %cond3A = arith.constant 0 : i32
    %cond3A_10 = arith.cmpi ne, %convert_element_type3A, %cond3A : i32
    scf.if %cond3A_10 {
      %mul3A_16 = arith.constant 640 : i32
      %mul3A_17 = arith.muli %arg1, %mul3A_16 : i32
      %mul3A_18 = arith.constant 640 : i32
      %mul3A_19 = arith.muli %arg1, %mul3A_18 : i32
      "tpu.region"() ({
        %run_scoped3A = tpu.sem_alloc : memref<!tpu.dma_semaphore, #tpu.memory_space<semaphore_mem>>
        %dma_start3A = arith.constant 0 : i32
        %dma_start3A_20 = tpu.memref_slice %arg6[%mul3A_19, %dma_start3A] : memref<10240x128xf32, #tpu.memory_space<hbm>> -> memref<640x128xf32, #tpu.memory_space<hbm>>
        %dma_start3A_21 = arith.constant 0 : i32
        %dma_start3A_22 = tpu.memref_slice %arg11[%mul3A_17, %dma_start3A_21] : memref<10240x128xf32, #tpu.memory_space<vmem_shared>> -> memref<640x128xf32, #tpu.memory_space<vmem_shared>>
        tpu.enqueue_dma source(%dma_start3A_22 : memref<640x128xf32, #tpu.memory_space<vmem_shared>>) target(%dma_start3A_20 : memref<640x128xf32, #tpu.memory_space<hbm>>) target_semaphore(%run_scoped3A : memref<!tpu.dma_semaphore, #tpu.memory_space<semaphore_mem>>)
        %dma_wait3A = arith.constant 0 : i32
        %dma_wait3A_23 = tpu.memref_slice %arg6[%mul3A_19, %dma_wait3A] : memref<10240x128xf32, #tpu.memory_space<hbm>> -> memref<640x128xf32, #tpu.memory_space<hbm>>
        %dma_wait3A_24 = arith.constant 0 : i32
        %dma_wait3A_25 = tpu.memref_slice %arg11[%mul3A_17, %dma_wait3A_24] : memref<10240x128xf32, #tpu.memory_space<vmem_shared>> -> memref<640x128xf32, #tpu.memory_space<vmem_shared>>
        tpu.wait_dma2 semaphore(%run_scoped3A : memref<!tpu.dma_semaphore, #tpu.memory_space<semaphore_mem>>) src(%dma_wait3A_25 : memref<640x128xf32, #tpu.memory_space<vmem_shared>>) dst(%dma_wait3A_23 : memref<640x128xf32, #tpu.memory_space<hbm>>)
        tpu.yield
      }) : () -> ()
    } else {
    }
    %eq3A_11 = arith.constant 1 : i32
    %eq3A_12 = arith.cmpi eq, %arg0, %eq3A_11 : i32
    %convert_element_type3A_13 = arith.extui %eq3A_12 : i1 to i32
    %cond3A_14 = arith.constant 0 : i32
    %cond3A_15 = arith.cmpi ne, %convert_element_type3A_13, %cond3A_14 : i32
    scf.if %cond3A_15 {
      %mul3A_16 = arith.constant 640 : i32
      %mul3A_17 = arith.muli %arg1, %mul3A_16 : i32
      %mul3A_18 = arith.constant 640 : i32
      %mul3A_19 = arith.muli %arg1, %mul3A_18 : i32
      "tpu.region"() ({
        %run_scoped3A = tpu.sem_alloc : memref<!tpu.dma_semaphore, #tpu.memory_space<semaphore_mem>>
        %dma_start3A = arith.constant 0 : i32
        %dma_start3A_20 = tpu.memref_slice %arg7[%mul3A_19, %dma_start3A] : memref<10240x128xf32, #tpu.memory_space<hbm>> -> memref<640x128xf32, #tpu.memory_space<hbm>>
        %dma_start3A_21 = arith.constant 0 : i32
        %dma_start3A_22 = tpu.memref_slice %arg11[%mul3A_17, %dma_start3A_21] : memref<10240x128xf32, #tpu.memory_space<vmem_shared>> -> memref<640x128xf32, #tpu.memory_space<vmem_shared>>
        tpu.enqueue_dma source(%dma_start3A_22 : memref<640x128xf32, #tpu.memory_space<vmem_shared>>) target(%dma_start3A_20 : memref<640x128xf32, #tpu.memory_space<hbm>>) target_semaphore(%run_scoped3A : memref<!tpu.dma_semaphore, #tpu.memory_space<semaphore_mem>>)
        %dma_wait3A = arith.constant 0 : i32
        %dma_wait3A_23 = tpu.memref_slice %arg7[%mul3A_19, %dma_wait3A] : memref<10240x128xf32, #tpu.memory_space<hbm>> -> memref<640x128xf32, #tpu.memory_space<hbm>>
        %dma_wait3A_24 = arith.constant 0 : i32
        %dma_wait3A_25 = tpu.memref_slice %arg11[%mul3A_17, %dma_wait3A_24] : memref<10240x128xf32, #tpu.memory_space<vmem_shared>> -> memref<640x128xf32, #tpu.memory_space<vmem_shared>>
        tpu.wait_dma2 semaphore(%run_scoped3A : memref<!tpu.dma_semaphore, #tpu.memory_space<semaphore_mem>>) src(%dma_wait3A_25 : memref<640x128xf32, #tpu.memory_space<vmem_shared>>) dst(%dma_wait3A_23 : memref<640x128xf32, #tpu.memory_space<hbm>>)
        tpu.yield
      }) : () -> ()
    } else {
    }
    return
  }
}

#map = affine_map<(d0, d1) -> (0, 0)>
#map1 = affine_map<(d0, d1) -> (0, 0, 0)>
module attributes {stable_mosaic.version = 14 : i64} {
  func.func @body(%arg0: i32, %arg1: i32, %arg2: memref<10240x128xf32, #tpu.memory_space<hbm>>, %arg3: memref<32x79x128xi32, #tpu.memory_space<hbm>>, %arg4: memref<32x79x128xi32, #tpu.memory_space<hbm>>, %arg5: memref<640x128xf32, #tpu.memory_space<hbm>>, %arg6: memref<10240x128xf32, #tpu.memory_space<hbm>>, %arg7: memref<10240x128xf32, #tpu.memory_space<hbm>>, %arg8: memref<79x128xi32, #tpu.memory_space<vmem>>, %arg9: memref<79x128xi32, #tpu.memory_space<vmem>>, %arg10: memref<128x128xf32, #tpu.memory_space<vmem>>, %arg11: memref<10240x128xf32, #tpu.memory_space<vmem_shared>>, %arg12: memref<!tpu.dma_semaphore, #tpu.memory_space<semaphore_mem>>) attributes {dimension_semantics = [#tpu.dimension_semantics<core_parallel>, #tpu.dimension_semantics<subcore_parallel>], iteration_bounds = array<i64: 2, 16>, scalar_prefetch = 0 : i64, scratch_operands = 5 : i64, tpu.core_type = #tpu.core_type<sc_vector_subcore>, window_params = [{transform_indices = #map}, {transform_indices = #map1}, {transform_indices = #map1}, {transform_indices = #map}, {transform_indices = #map}, {transform_indices = #map}]} {
    %mul3A = arith.constant 16 : i32
    %mul3A_0 = arith.muli %arg0, %mul3A : i32
    %add3A = arith.addi %mul3A_0, %arg1 : i32
    %mul3A_1 = arith.constant 640 : i32
    %mul3A_2 = arith.muli %arg1, %mul3A_1 : i32
    "tpu.region"() ({
      %run_scoped3A = tpu.sem_alloc : memref<!tpu.dma_semaphore, #tpu.memory_space<semaphore_mem>>
      %dma_start3A = arith.constant 0 : i32
      %dma_start3A_16 = tpu.memref_slice %arg11[%mul3A_2, %dma_start3A] : memref<10240x128xf32, #tpu.memory_space<vmem_shared>> -> memref<640x128xf32, #tpu.memory_space<vmem_shared>>
      tpu.enqueue_dma source(%arg5 : memref<640x128xf32, #tpu.memory_space<hbm>>) target(%dma_start3A_16 : memref<640x128xf32, #tpu.memory_space<vmem_shared>>) target_semaphore(%run_scoped3A : memref<!tpu.dma_semaphore, #tpu.memory_space<semaphore_mem>>)
      %dma_wait3A = arith.constant 0 : i32
      %dma_wait3A_17 = tpu.memref_slice %arg11[%mul3A_2, %dma_wait3A] : memref<10240x128xf32, #tpu.memory_space<vmem_shared>> -> memref<640x128xf32, #tpu.memory_space<vmem_shared>>
      tpu.wait_dma2 semaphore(%run_scoped3A : memref<!tpu.dma_semaphore, #tpu.memory_space<semaphore_mem>>) src(%arg5 : memref<640x128xf32, #tpu.memory_space<hbm>>) dst(%dma_wait3A_17 : memref<640x128xf32, #tpu.memory_space<vmem_shared>>)
      tpu.yield
    }) : () -> ()
    "tpu.region"() ({
      %run_scoped3A = tpu.sem_alloc : memref<!tpu.dma_semaphore, #tpu.memory_space<semaphore_mem>>
      %dma_start3A = arith.constant 0 : i32
      %dma_start3A_16 = arith.constant 0 : i32
      %dma_start3A_17 = tpu.memref_slice %arg3[%add3A, %dma_start3A, %dma_start3A_16] : memref<32x79x128xi32, #tpu.memory_space<hbm>> -> memref<1x79x128xi32, #tpu.memory_space<hbm>>
      %dma_start3A_18 = tpu.memref_squeeze %dma_start3A_17 : memref<1x79x128xi32, #tpu.memory_space<hbm>> -> memref<79x128xi32, #tpu.memory_space<hbm>>
      %dma_start3A_19 = arith.constant 0 : i32
      %dma_start3A_20 = arith.constant 0 : i32
      %dma_start3A_21 = tpu.memref_slice %arg3[%add3A, %dma_start3A_19, %dma_start3A_20] : memref<32x79x128xi32, #tpu.memory_space<hbm>> -> memref<1x79x128xi32, #tpu.memory_space<hbm>>
      %dma_start3A_22 = tpu.memref_squeeze %dma_start3A_21 : memref<1x79x128xi32, #tpu.memory_space<hbm>> -> memref<79x128xi32, #tpu.memory_space<hbm>>
      tpu.enqueue_dma source(%dma_start3A_22 : memref<79x128xi32, #tpu.memory_space<hbm>>) target(%arg8 : memref<79x128xi32, #tpu.memory_space<vmem>>) target_semaphore(%run_scoped3A : memref<!tpu.dma_semaphore, #tpu.memory_space<semaphore_mem>>)
      %dma_wait3A = arith.constant 0 : i32
      %dma_wait3A_23 = arith.constant 0 : i32
      %dma_wait3A_24 = tpu.memref_slice %arg3[%add3A, %dma_wait3A, %dma_wait3A_23] : memref<32x79x128xi32, #tpu.memory_space<hbm>> -> memref<1x79x128xi32, #tpu.memory_space<hbm>>
      %dma_wait3A_25 = tpu.memref_squeeze %dma_wait3A_24 : memref<1x79x128xi32, #tpu.memory_space<hbm>> -> memref<79x128xi32, #tpu.memory_space<hbm>>
      %dma_wait3A_26 = arith.constant 0 : i32
      %dma_wait3A_27 = arith.constant 0 : i32
      %dma_wait3A_28 = tpu.memref_slice %arg3[%add3A, %dma_wait3A_26, %dma_wait3A_27] : memref<32x79x128xi32, #tpu.memory_space<hbm>> -> memref<1x79x128xi32, #tpu.memory_space<hbm>>
      %dma_wait3A_29 = tpu.memref_squeeze %dma_wait3A_28 : memref<1x79x128xi32, #tpu.memory_space<hbm>> -> memref<79x128xi32, #tpu.memory_space<hbm>>
      tpu.wait_dma2 semaphore(%run_scoped3A : memref<!tpu.dma_semaphore, #tpu.memory_space<semaphore_mem>>) src(%dma_wait3A_29 : memref<79x128xi32, #tpu.memory_space<hbm>>) dst(%arg8 : memref<79x128xi32, #tpu.memory_space<vmem>>)
      tpu.yield
    }) : () -> ()
    "tpu.region"() ({
      %run_scoped3A = tpu.sem_alloc : memref<!tpu.dma_semaphore, #tpu.memory_space<semaphore_mem>>
      %dma_start3A = arith.constant 0 : i32
      %dma_start3A_16 = arith.constant 0 : i32
      %dma_start3A_17 = tpu.memref_slice %arg4[%add3A, %dma_start3A, %dma_start3A_16] : memref<32x79x128xi32, #tpu.memory_space<hbm>> -> memref<1x79x128xi32, #tpu.memory_space<hbm>>
      %dma_start3A_18 = tpu.memref_squeeze %dma_start3A_17 : memref<1x79x128xi32, #tpu.memory_space<hbm>> -> memref<79x128xi32, #tpu.memory_space<hbm>>
      %dma_start3A_19 = arith.constant 0 : i32
      %dma_start3A_20 = arith.constant 0 : i32
      %dma_start3A_21 = tpu.memref_slice %arg4[%add3A, %dma_start3A_19, %dma_start3A_20] : memref<32x79x128xi32, #tpu.memory_space<hbm>> -> memref<1x79x128xi32, #tpu.memory_space<hbm>>
      %dma_start3A_22 = tpu.memref_squeeze %dma_start3A_21 : memref<1x79x128xi32, #tpu.memory_space<hbm>> -> memref<79x128xi32, #tpu.memory_space<hbm>>
      tpu.enqueue_dma source(%dma_start3A_22 : memref<79x128xi32, #tpu.memory_space<hbm>>) target(%arg9 : memref<79x128xi32, #tpu.memory_space<vmem>>) target_semaphore(%run_scoped3A : memref<!tpu.dma_semaphore, #tpu.memory_space<semaphore_mem>>)
      %dma_wait3A = arith.constant 0 : i32
      %dma_wait3A_23 = arith.constant 0 : i32
      %dma_wait3A_24 = tpu.memref_slice %arg4[%add3A, %dma_wait3A, %dma_wait3A_23] : memref<32x79x128xi32, #tpu.memory_space<hbm>> -> memref<1x79x128xi32, #tpu.memory_space<hbm>>
      %dma_wait3A_25 = tpu.memref_squeeze %dma_wait3A_24 : memref<1x79x128xi32, #tpu.memory_space<hbm>> -> memref<79x128xi32, #tpu.memory_space<hbm>>
      %dma_wait3A_26 = arith.constant 0 : i32
      %dma_wait3A_27 = arith.constant 0 : i32
      %dma_wait3A_28 = tpu.memref_slice %arg4[%add3A, %dma_wait3A_26, %dma_wait3A_27] : memref<32x79x128xi32, #tpu.memory_space<hbm>> -> memref<1x79x128xi32, #tpu.memory_space<hbm>>
      %dma_wait3A_29 = tpu.memref_squeeze %dma_wait3A_28 : memref<1x79x128xi32, #tpu.memory_space<hbm>> -> memref<79x128xi32, #tpu.memory_space<hbm>>
      tpu.wait_dma2 semaphore(%run_scoped3A : memref<!tpu.dma_semaphore, #tpu.memory_space<semaphore_mem>>) src(%dma_wait3A_29 : memref<79x128xi32, #tpu.memory_space<hbm>>) dst(%arg9 : memref<79x128xi32, #tpu.memory_space<vmem>>)
      tpu.yield
    }) : () -> ()
    %barrier3A = arith.constant 0 : index
    tpu.barrier barrier_id(%barrier3A)
    %scan3A = arith.constant 0 : i32
    %scan3A_3 = arith.constant 0 : i32
    %scan3A_4 = arith.constant 79 : i32
    %scan3A_5 = arith.addi %scan3A_3, %scan3A_4 : i32
    %scan3A_6 = arith.constant 1 : i32
    scf.for %scan3A_16 = %scan3A_3 to %scan3A_5 step %scan3A_6  : i32 {
      %dma_start3A = arith.constant 0 : i32
      %dma_start3A_17 = tpu.memref_slice %arg8[%scan3A_16, %dma_start3A] : memref<79x128xi32, #tpu.memory_space<vmem>> -> memref<1x128xi32, #tpu.memory_space<vmem>>
      %dma_start3A_18 = tpu.memref_squeeze %dma_start3A_17 : memref<1x128xi32, #tpu.memory_space<vmem>> -> memref<128xi32, #tpu.memory_space<vmem>>
      %dma_start3A_19 = arith.constant 0 : i32
      %dma_start3A_20 = arith.constant 0 : i32
      %dma_start3A_21 = tpu.memref_slice %arg2[%dma_start3A_19, %dma_start3A_20] : memref<10240x128xf32, #tpu.memory_space<hbm>> -> memref<10240x128xf32, #tpu.memory_space<hbm>>
      tpu.enqueue_indirect_dma source(%dma_start3A_21 : memref<10240x128xf32, #tpu.memory_space<hbm>>) target(%arg10 : memref<128x128xf32, #tpu.memory_space<vmem>>) offsets(%dma_start3A_18 : memref<128xi32, #tpu.memory_space<vmem>>) semaphore(%arg12 : memref<!tpu.dma_semaphore, #tpu.memory_space<semaphore_mem>>)
      %dma_wait3A = arith.constant 0 : i32
      %dma_wait3A_22 = tpu.memref_slice %arg8[%scan3A_16, %dma_wait3A] : memref<79x128xi32, #tpu.memory_space<vmem>> -> memref<1x128xi32, #tpu.memory_space<vmem>>
      %dma_wait3A_23 = tpu.memref_squeeze %dma_wait3A_22 : memref<1x128xi32, #tpu.memory_space<vmem>> -> memref<128xi32, #tpu.memory_space<vmem>>
      %dma_wait3A_24 = arith.constant 0 : i32
      %dma_wait3A_25 = arith.constant 0 : i32
      %dma_wait3A_26 = tpu.memref_slice %arg2[%dma_wait3A_24, %dma_wait3A_25] : memref<10240x128xf32, #tpu.memory_space<hbm>> -> memref<10240x128xf32, #tpu.memory_space<hbm>>
      tpu.wait_indirect_dma semaphore(%arg12 : memref<!tpu.dma_semaphore, #tpu.memory_space<semaphore_mem>>) src(%dma_wait3A_26 : memref<10240x128xf32, #tpu.memory_space<hbm>>) dst(%arg10 : memref<128x128xf32, #tpu.memory_space<vmem>>)
      "tpu.region"() ({
        %run_scoped3A = tpu.sem_alloc : memref<!tpu.dma_semaphore, #tpu.memory_space<semaphore_mem>>
        %dma_start3A_27 = arith.constant 0 : i32
        %dma_start3A_28 = tpu.memref_slice %arg9[%scan3A_16, %dma_start3A_27] : memref<79x128xi32, #tpu.memory_space<vmem>> -> memref<1x128xi32, #tpu.memory_space<vmem>>
        %dma_start3A_29 = tpu.memref_squeeze %dma_start3A_28 : memref<1x128xi32, #tpu.memory_space<vmem>> -> memref<128xi32, #tpu.memory_space<vmem>>
        %dma_start3A_30 = arith.constant 0 : i32
        %dma_start3A_31 = arith.constant 0 : i32
        %dma_start3A_32 = tpu.memref_slice %arg11[%dma_start3A_30, %dma_start3A_31] : memref<10240x128xf32, #tpu.memory_space<vmem_shared>> -> memref<10240x128xf32, #tpu.memory_space<vmem_shared>>
        tpu.enqueue_indirect_dma source(%arg10 : memref<128x128xf32, #tpu.memory_space<vmem>>) target(%dma_start3A_32 : memref<10240x128xf32, #tpu.memory_space<vmem_shared>>) offsets(%dma_start3A_29 : memref<128xi32, #tpu.memory_space<vmem>>) semaphore(%run_scoped3A : memref<!tpu.dma_semaphore, #tpu.memory_space<semaphore_mem>>) {add = true}
        %dma_wait3A_33 = arith.constant 0 : i32
        %dma_wait3A_34 = tpu.memref_slice %arg9[%scan3A_16, %dma_wait3A_33] : memref<79x128xi32, #tpu.memory_space<vmem>> -> memref<1x128xi32, #tpu.memory_space<vmem>>
        %dma_wait3A_35 = tpu.memref_squeeze %dma_wait3A_34 : memref<1x128xi32, #tpu.memory_space<vmem>> -> memref<128xi32, #tpu.memory_space<vmem>>
        %dma_wait3A_36 = arith.constant 0 : i32
        %dma_wait3A_37 = arith.constant 0 : i32
        %dma_wait3A_38 = tpu.memref_slice %arg11[%dma_wait3A_36, %dma_wait3A_37] : memref<10240x128xf32, #tpu.memory_space<vmem_shared>> -> memref<10240x128xf32, #tpu.memory_space<vmem_shared>>
        tpu.wait_indirect_dma semaphore(%run_scoped3A : memref<!tpu.dma_semaphore, #tpu.memory_space<semaphore_mem>>) src(%arg10 : memref<128x128xf32, #tpu.memory_space<vmem>>) dst(%dma_wait3A_38 : memref<10240x128xf32, #tpu.memory_space<vmem_shared>>)
        tpu.yield
      }) : () -> ()
    }
    %scan3A_7 = arith.constant 79 : i32
    %barrier3A_8 = arith.constant 0 : index
    tpu.barrier barrier_id(%barrier3A_8)
    %eq3A = arith.constant 0 : i32
    %eq3A_9 = arith.cmpi eq, %arg0, %eq3A : i32
    %convert_element_type3A = arith.extui %eq3A_9 : i1 to i32
    %cond3A = arith.constant 0 : i32
    %cond3A_10 = arith.cmpi ne, %convert_element_type3A, %cond3A : i32
    scf.if %cond3A_10 {
      %mul3A_16 = arith.constant 640 : i32
      %mul3A_17 = arith.muli %arg1, %mul3A_16 : i32
      %mul3A_18 = arith.constant 640 : i32
      %mul3A_19 = arith.muli %arg1, %mul3A_18 : i32
      "tpu.region"() ({
        %run_scoped3A = tpu.sem_alloc : memref<!tpu.dma_semaphore, #tpu.memory_space<semaphore_mem>>
        %dma_start3A = arith.constant 0 : i32
        %dma_start3A_20 = tpu.memref_slice %arg6[%mul3A_19, %dma_start3A] : memref<10240x128xf32, #tpu.memory_space<hbm>> -> memref<640x128xf32, #tpu.memory_space<hbm>>
        %dma_start3A_21 = arith.constant 0 : i32
        %dma_start3A_22 = tpu.memref_slice %arg11[%mul3A_17, %dma_start3A_21] : memref<10240x128xf32, #tpu.memory_space<vmem_shared>> -> memref<640x128xf32, #tpu.memory_space<vmem_shared>>
        tpu.enqueue_dma source(%dma_start3A_22 : memref<640x128xf32, #tpu.memory_space<vmem_shared>>) target(%dma_start3A_20 : memref<640x128xf32, #tpu.memory_space<hbm>>) target_semaphore(%run_scoped3A : memref<!tpu.dma_semaphore, #tpu.memory_space<semaphore_mem>>)
        %dma_wait3A = arith.constant 0 : i32
        %dma_wait3A_23 = tpu.memref_slice %arg6[%mul3A_19, %dma_wait3A] : memref<10240x128xf32, #tpu.memory_space<hbm>> -> memref<640x128xf32, #tpu.memory_space<hbm>>
        %dma_wait3A_24 = arith.constant 0 : i32
        %dma_wait3A_25 = tpu.memref_slice %arg11[%mul3A_17, %dma_wait3A_24] : memref<10240x128xf32, #tpu.memory_space<vmem_shared>> -> memref<640x128xf32, #tpu.memory_space<vmem_shared>>
        tpu.wait_dma2 semaphore(%run_scoped3A : memref<!tpu.dma_semaphore, #tpu.memory_space<semaphore_mem>>) src(%dma_wait3A_25 : memref<640x128xf32, #tpu.memory_space<vmem_shared>>) dst(%dma_wait3A_23 : memref<640x128xf32, #tpu.memory_space<hbm>>)
        tpu.yield
      }) : () -> ()
    } else {
    }
    %eq3A_11 = arith.constant 1 : i32
    %eq3A_12 = arith.cmpi eq, %arg0, %eq3A_11 : i32
    %convert_element_type3A_13 = arith.extui %eq3A_12 : i1 to i32
    %cond3A_14 = arith.constant 0 : i32
    %cond3A_15 = arith.cmpi ne, %convert_element_type3A_13, %cond3A_14 : i32
    scf.if %cond3A_15 {
      %mul3A_16 = arith.constant 640 : i32
      %mul3A_17 = arith.muli %arg1, %mul3A_16 : i32
      %mul3A_18 = arith.constant 640 : i32
      %mul3A_19 = arith.muli %arg1, %mul3A_18 : i32
      "tpu.region"() ({
        %run_scoped3A = tpu.sem_alloc : memref<!tpu.dma_semaphore, #tpu.memory_space<semaphore_mem>>
        %dma_start3A = arith.constant 0 : i32
        %dma_start3A_20 = tpu.memref_slice %arg7[%mul3A_19, %dma_start3A] : memref<10240x128xf32, #tpu.memory_space<hbm>> -> memref<640x128xf32, #tpu.memory_space<hbm>>
        %dma_start3A_21 = arith.constant 0 : i32
        %dma_start3A_22 = tpu.memref_slice %arg11[%mul3A_17, %dma_start3A_21] : memref<10240x128xf32, #tpu.memory_space<vmem_shared>> -> memref<640x128xf32, #tpu.memory_space<vmem_shared>>
        tpu.enqueue_dma source(%dma_start3A_22 : memref<640x128xf32, #tpu.memory_space<vmem_shared>>) target(%dma_start3A_20 : memref<640x128xf32, #tpu.memory_space<hbm>>) target_semaphore(%run_scoped3A : memref<!tpu.dma_semaphore, #tpu.memory_space<semaphore_mem>>)
        %dma_wait3A = arith.constant 0 : i32
        %dma_wait3A_23 = tpu.memref_slice %arg7[%mul3A_19, %dma_wait3A] : memref<10240x128xf32, #tpu.memory_space<hbm>> -> memref<640x128xf32, #tpu.memory_space<hbm>>
        %dma_wait3A_24 = arith.constant 0 : i32
        %dma_wait3A_25 = tpu.memref_slice %arg11[%mul3A_17, %dma_wait3A_24] : memref<10240x128xf32, #tpu.memory_space<vmem_shared>> -> memref<640x128xf32, #tpu.memory_space<vmem_shared>>
        tpu.wait_dma2 semaphore(%run_scoped3A : memref<!tpu.dma_semaphore, #tpu.memory_space<semaphore_mem>>) src(%dma_wait3A_25 : memref<640x128xf32, #tpu.memory_space<vmem_shared>>) dst(%dma_wait3A_23 : memref<640x128xf32, #tpu.memory_space<hbm>>)
        tpu.yield
      }) : () -> ()
    } else {
    }
    return
  }
}

module attributes {stable_mosaic.version = 14 : i64} {
  func.func @_tc1_body(%arg0: i32, %arg1: memref<512x128xf32, #tpu.memory_space<vmem>>, %arg2: memref<128x128xf32, #tpu.memory_space<vmem>>, %arg3: memref<512x128xf32, #tpu.memory_space<vmem>>, %arg4: memref<512x128xf32, #tpu.memory_space<vmem>>, %arg5: memref<512x128xf32, #tpu.memory_space<vmem>>, %arg6: memref<512x8xf32, #tpu.memory_space<vmem>>) attributes {dimension_semantics = [#tpu.dimension_semantics<arbitrary>], iteration_bounds = array<i64: 20>, scalar_prefetch = 0 : i64, scratch_operands = 0 : i64, tpu.core_type = #tpu.core_type<tc>, window_params = [{transform_indices = @transform_0, window_bounds = array<i64: 512, 128>}, {pipeline_mode = #tpu.pipeline_mode<synchronous>, transform_indices = @transform_1, window_bounds = array<i64: 128, 128>}, {transform_indices = @transform_2, window_bounds = array<i64: 512, 128>}, {transform_indices = @transform_3, window_bounds = array<i64: 512, 128>}, {transform_indices = @transform_4, window_bounds = array<i64: 512, 128>}, {transform_indices = @transform_5, window_bounds = array<i64: 512, 8>}]} {
    %get3A = arith.constant 0 : index
    %get3A_0 = arith.constant 0 : index
    %get3A_1 = vector.load %arg3[%get3A, %get3A_0] : memref<512x128xf32, #tpu.memory_space<vmem>>, vector<512x1xf32>
    %get3A_2 = arith.constant 0 : index
    %get3A_3 = arith.constant 0 : index
    %get3A_4 = vector.load %arg4[%get3A_2, %get3A_3] : memref<512x128xf32, #tpu.memory_space<vmem>>, vector<512x1xf32>
    %add3A = arith.addf %get3A_1, %get3A_4 : vector<512x1xf32>
    %add3A_5 = arith.constant 1.000000e+00 : f32
    %add3A_6 = vector.broadcast %add3A_5 : f32 to vector<512x1xf32>
    %add3A_7 = arith.addf %add3A, %add3A_6 : vector<512x1xf32>
    %max3A = arith.constant 9.99999996E-13 : f32
    %max3A_8 = vector.broadcast %max3A : f32 to vector<512x1xf32>
    %max3A_9 = arith.maximumf %add3A_7, %max3A_8 : vector<512x1xf32>
    %rsqrt3A = math.rsqrt %max3A_9 : vector<512x1xf32>
    %get3A_10 = arith.constant 0 : index
    %get3A_11 = arith.constant 0 : index
    %get3A_12 = vector.load %arg1[%get3A_10, %get3A_11] : memref<512x128xf32, #tpu.memory_space<vmem>>, vector<512x128xf32>
    %get3A_13 = arith.constant 0 : index
    %get3A_14 = arith.constant 0 : index
    %get3A_15 = vector.load %arg2[%get3A_13, %get3A_14] : memref<128x128xf32, #tpu.memory_space<vmem>>, vector<128x128xf32>
    %dot_general3A = arith.constant dense<0.000000e+00> : vector<512x128xf32>
    %dot_general3A_16 = tpu.matmul %get3A_12, %get3A_15, %dot_general3A {dimension_numbers = #tpu.dot_dimension_numbers<[1], [0], [0], [1], [0, 0, 1, 1], [], []>, transpose_lhs_hint = false} : vector<512x128xf32>, vector<128x128xf32>, vector<512x128xf32> -> vector<512x128xf32>
    %mul3A = vector.broadcast %rsqrt3A : vector<512x1xf32> to vector<512x128xf32>
    %mul3A_17 = arith.mulf %mul3A, %dot_general3A_16 : vector<512x128xf32>
    %swap3A = arith.constant 0 : index
    %swap3A_18 = arith.constant 0 : index
    %swap3A_19 = vector.load %arg5[%swap3A, %swap3A_18] : memref<512x128xf32, #tpu.memory_space<vmem>>, vector<512x128xf32>
    tpu.vector_store %arg5[%swap3A, %swap3A_18], %mul3A_17 {strides = array<i32>} : memref<512x128xf32, #tpu.memory_space<vmem>>, vector<512x128xf32>,
    %broadcast_in_dim3A = vector.shape_cast %rsqrt3A : vector<512x1xf32> to vector<512x1xf32>
    %broadcast_in_dim3A_20 = vector.broadcast %broadcast_in_dim3A : vector<512x1xf32> to vector<512x8xf32>
    %swap3A_21 = arith.constant 0 : index
    %swap3A_22 = arith.constant 0 : index
    %swap3A_23 = vector.load %arg6[%swap3A_21, %swap3A_22] : memref<512x8xf32, #tpu.memory_space<vmem>>, vector<512x8xf32>
    tpu.vector_store %arg6[%swap3A_21, %swap3A_22], %broadcast_in_dim3A_20 {strides = array<i32>} : memref<512x8xf32, #tpu.memory_space<vmem>>, vector<512x8xf32>,
    return
  }
  func.func @transform_0(%arg0: i32) -> (i32, i32) {
    %c0_i32 = arith.constant 0 : i32
    %c0_i32_0 = arith.constant 0 : i32
    return %arg0, %c0_i32 : i32, i32
  }
  func.func @transform_1(%arg0: i32) -> (i32, i32) {
    %c0_i32 = arith.constant 0 : i32
    %c0_i32_0 = arith.constant 0 : i32
    %c0_i32_1 = arith.constant 0 : i32
    return %c0_i32, %c0_i32_0 : i32, i32
  }
  func.func @transform_2(%arg0: i32) -> (i32, i32) {
    %c0_i32 = arith.constant 0 : i32
    %c0_i32_0 = arith.constant 0 : i32
    return %arg0, %c0_i32 : i32, i32
  }
  func.func @transform_3(%arg0: i32) -> (i32, i32) {
    %c0_i32 = arith.constant 0 : i32
    %c0_i32_0 = arith.constant 0 : i32
    return %arg0, %c0_i32 : i32, i32
  }
  func.func @transform_4(%arg0: i32) -> (i32, i32) {
    %c0_i32 = arith.constant 0 : i32
    %c0_i32_0 = arith.constant 0 : i32
    return %arg0, %c0_i32 : i32, i32
  }
  func.func @transform_5(%arg0: i32) -> (i32, i32) {
    %c0_i32 = arith.constant 0 : i32
    %c0_i32_0 = arith.constant 0 : i32
    return %arg0, %c0_i32 : i32, i32
  }
}

module attributes {stable_mosaic.version = 14 : i64} {
  func.func @_tc2_body(%arg0: i32, %arg1: memref<512x128xf32, #tpu.memory_space<vmem>>, %arg2: memref<512x128xf32, #tpu.memory_space<vmem>>, %arg3: memref<512x128xf32, #tpu.memory_space<vmem>>, %arg4: memref<512x8xf32, #tpu.memory_space<vmem>>, %arg5: memref<1x128xf32, #tpu.memory_space<vmem>>, %arg6: memref<128x256xf32, #tpu.memory_space<vmem>>, %arg7: memref<512x128xf32, #tpu.memory_space<vmem>>, %arg8: memref<512x128xf32, #tpu.memory_space<vmem>>) attributes {dimension_semantics = [#tpu.dimension_semantics<arbitrary>], iteration_bounds = array<i64: 20>, scalar_prefetch = 0 : i64, scratch_operands = 0 : i64, tpu.core_type = #tpu.core_type<tc>, window_params = [{transform_indices = @transform_0, window_bounds = array<i64: 512, 128>}, {transform_indices = @transform_1, window_bounds = array<i64: 512, 128>}, {transform_indices = @transform_2, window_bounds = array<i64: 512, 128>}, {transform_indices = @transform_3, window_bounds = array<i64: 512, 8>}, {pipeline_mode = #tpu.pipeline_mode<synchronous>, transform_indices = @transform_4, window_bounds = array<i64: 1, 128>}, {pipeline_mode = #tpu.pipeline_mode<synchronous>, transform_indices = @transform_5, window_bounds = array<i64: 128, 256>}, {transform_indices = @transform_6, window_bounds = array<i64: 512, 128>}, {transform_indices = @transform_7, window_bounds = array<i64: 512, 128>}]} {
    %get3A = arith.constant 0 : index
    %get3A_0 = arith.constant 0 : index
    %get3A_1 = vector.load %arg4[%get3A, %get3A_0] : memref<512x8xf32, #tpu.memory_space<vmem>>, vector<512x1xf32>
    %get3A_2 = arith.constant 0 : index
    %get3A_3 = arith.constant 0 : index
    %get3A_4 = vector.load %arg1[%get3A_2, %get3A_3] : memref<512x128xf32, #tpu.memory_space<vmem>>, vector<512x128xf32>
    %get3A_5 = arith.constant 0 : index
    %get3A_6 = arith.constant 0 : index
    %get3A_7 = vector.load %arg2[%get3A_5, %get3A_6] : memref<512x128xf32, #tpu.memory_space<vmem>>, vector<512x128xf32>
    %add3A = arith.addf %get3A_4, %get3A_7 : vector<512x128xf32>
    %get3A_8 = arith.constant 0 : index
    %get3A_9 = arith.constant 0 : index
    %get3A_10 = vector.load %arg3[%get3A_8, %get3A_9] : memref<512x128xf32, #tpu.memory_space<vmem>>, vector<512x128xf32>
    %add3A_11 = arith.addf %add3A, %get3A_10 : vector<512x128xf32>
    %mul3A = vector.broadcast %get3A_1 : vector<512x1xf32> to vector<512x128xf32>
    %mul3A_12 = arith.mulf %mul3A, %add3A_11 : vector<512x128xf32>
    %get3A_13 = arith.constant 0 : index
    %get3A_14 = arith.constant 0 : index
    %get3A_15 = vector.load %arg5[%get3A_13, %get3A_14] : memref<1x128xf32, #tpu.memory_space<vmem>>, vector<1x128xf32>
    %add3A_16 = vector.broadcast %get3A_15 : vector<1x128xf32> to vector<512x128xf32>
    %add3A_17 = arith.addf %mul3A_12, %add3A_16 : vector<512x128xf32>
    %max3A = arith.constant 0.000000e+00 : f32
    %max3A_18 = vector.broadcast %max3A : f32 to vector<512x128xf32>
    %max3A_19 = arith.maximumf %add3A_17, %max3A_18 : vector<512x128xf32>
    %get3A_20 = arith.constant 0 : index
    %get3A_21 = arith.constant 0 : index
    %get3A_22 = vector.load %arg6[%get3A_20, %get3A_21] : memref<128x256xf32, #tpu.memory_space<vmem>>, vector<128x256xf32>
    %dot_general3A = arith.constant dense<0.000000e+00> : vector<512x256xf32>
    %dot_general3A_23 = tpu.matmul %max3A_19, %get3A_22, %dot_general3A {dimension_numbers = #tpu.dot_dimension_numbers<[1], [0], [0], [1], [0, 0, 1, 1], [], []>, transpose_lhs_hint = false} : vector<512x128xf32>, vector<128x256xf32>, vector<512x256xf32> -> vector<512x256xf32>
    %mul3A_24 = vector.broadcast %get3A_1 : vector<512x1xf32> to vector<512x256xf32>
    %mul3A_25 = arith.mulf %mul3A_24, %dot_general3A_23 : vector<512x256xf32>
    %slice3A = vector.extract_strided_slice %mul3A_25 {offsets = [0, 0], sizes = [512, 128], strides = [1, 1]} : vector<512x256xf32> to vector<512x128xf32>
    %swap3A = arith.constant 0 : index
    %swap3A_26 = arith.constant 0 : index
    %swap3A_27 = vector.load %arg7[%swap3A, %swap3A_26] : memref<512x128xf32, #tpu.memory_space<vmem>>, vector<512x128xf32>
    tpu.vector_store %arg7[%swap3A, %swap3A_26], %slice3A {strides = array<i32>} : memref<512x128xf32, #tpu.memory_space<vmem>>, vector<512x128xf32>,
    %slice3A_28 = vector.extract_strided_slice %mul3A_25 {offsets = [0, 128], sizes = [512, 128], strides = [1, 1]} : vector<512x256xf32> to vector<512x128xf32>
    %swap3A_29 = arith.constant 0 : index
    %swap3A_30 = arith.constant 0 : index
    %swap3A_31 = vector.load %arg8[%swap3A_29, %swap3A_30] : memref<512x128xf32, #tpu.memory_space<vmem>>, vector<512x128xf32>
    tpu.vector_store %arg8[%swap3A_29, %swap3A_30], %slice3A_28 {strides = array<i32>} : memref<512x128xf32, #tpu.memory_space<vmem>>, vector<512x128xf32>,
    return
  }
  func.func @transform_0(%arg0: i32) -> (i32, i32) {
    %c0_i32 = arith.constant 0 : i32
    %c0_i32_0 = arith.constant 0 : i32
    return %arg0, %c0_i32 : i32, i32
  }
  func.func @transform_1(%arg0: i32) -> (i32, i32) {
    %c0_i32 = arith.constant 0 : i32
    %c0_i32_0 = arith.constant 0 : i32
    return %arg0, %c0_i32 : i32, i32
  }
  func.func @transform_2(%arg0: i32) -> (i32, i32) {
    %c0_i32 = arith.constant 0 : i32
    %c0_i32_0 = arith.constant 0 : i32
    return %arg0, %c0_i32 : i32, i32
  }
  func.func @transform_3(%arg0: i32) -> (i32, i32) {
    %c0_i32 = arith.constant 0 : i32
    %c0_i32_0 = arith.constant 0 : i32
    return %arg0, %c0_i32 : i32, i32
  }
  func.func @transform_4(%arg0: i32) -> (i32, i32) {
    %c0_i32 = arith.constant 0 : i32
    %c0_i32_0 = arith.constant 0 : i32
    %c0_i32_1 = arith.constant 0 : i32
    return %c0_i32, %c0_i32_0 : i32, i32
  }
  func.func @transform_5(%arg0: i32) -> (i32, i32) {
    %c0_i32 = arith.constant 0 : i32
    %c0_i32_0 = arith.constant 0 : i32
    %c0_i32_1 = arith.constant 0 : i32
    return %c0_i32, %c0_i32_0 : i32, i32
  }
  func.func @transform_6(%arg0: i32) -> (i32, i32) {
    %c0_i32 = arith.constant 0 : i32
    %c0_i32_0 = arith.constant 0 : i32
    return %arg0, %c0_i32 : i32, i32
  }
  func.func @transform_7(%arg0: i32) -> (i32, i32) {
    %c0_i32 = arith.constant 0 : i32
    %c0_i32_0 = arith.constant 0 : i32
    return %arg0, %c0_i32 : i32, i32
  }
}

module attributes {stable_mosaic.version = 14 : i64} {
  func.func @_tc3_body(%arg0: i32, %arg1: memref<512x128xf32, #tpu.memory_space<vmem>>, %arg2: memref<512x128xf32, #tpu.memory_space<vmem>>, %arg3: memref<512x128xf32, #tpu.memory_space<vmem>>, %arg4: memref<512x128xf32, #tpu.memory_space<vmem>>, %arg5: memref<512x128xf32, #tpu.memory_space<vmem>>, %arg6: memref<512x128xf32, #tpu.memory_space<vmem>>, %arg7: memref<512x8xf32, #tpu.memory_space<vmem>>, %arg8: memref<1x256xf32, #tpu.memory_space<vmem>>, %arg9: memref<256x128xf32, #tpu.memory_space<vmem>>, %arg10: memref<512x128xf32, #tpu.memory_space<vmem>>) attributes {dimension_semantics = [#tpu.dimension_semantics<arbitrary>], iteration_bounds = array<i64: 20>, scalar_prefetch = 0 : i64, scratch_operands = 0 : i64, tpu.core_type = #tpu.core_type<tc>, window_params = [{transform_indices = @transform_0, window_bounds = array<i64: 512, 128>}, {transform_indices = @transform_1, window_bounds = array<i64: 512, 128>}, {transform_indices = @transform_2, window_bounds = array<i64: 512, 128>}, {transform_indices = @transform_3, window_bounds = array<i64: 512, 128>}, {transform_indices = @transform_4, window_bounds = array<i64: 512, 128>}, {transform_indices = @transform_5, window_bounds = array<i64: 512, 128>}, {transform_indices = @transform_6, window_bounds = array<i64: 512, 8>}, {pipeline_mode = #tpu.pipeline_mode<synchronous>, transform_indices = @transform_7, window_bounds = array<i64: 1, 256>}, {pipeline_mode = #tpu.pipeline_mode<synchronous>, transform_indices = @transform_8, window_bounds = array<i64: 256, 128>}, {transform_indices = @transform_9, window_bounds = array<i64: 512, 128>}]} {
    %get3A = arith.constant 0 : index
    %get3A_0 = arith.constant 0 : index
    %get3A_1 = vector.load %arg7[%get3A, %get3A_0] : memref<512x8xf32, #tpu.memory_space<vmem>>, vector<512x1xf32>
    %get3A_2 = arith.constant 0 : index
    %get3A_3 = arith.constant 0 : index
    %get3A_4 = vector.load %arg1[%get3A_2, %get3A_3] : memref<512x128xf32, #tpu.memory_space<vmem>>, vector<512x128xf32>
    %get3A_5 = arith.constant 0 : index
    %get3A_6 = arith.constant 0 : index
    %get3A_7 = vector.load %arg2[%get3A_5, %get3A_6] : memref<512x128xf32, #tpu.memory_space<vmem>>, vector<512x128xf32>
    %add3A = arith.addf %get3A_4, %get3A_7 : vector<512x128xf32>
    %get3A_8 = arith.constant 0 : index
    %get3A_9 = arith.constant 0 : index
    %get3A_10 = vector.load %arg5[%get3A_8, %get3A_9] : memref<512x128xf32, #tpu.memory_space<vmem>>, vector<512x128xf32>
    %add3A_11 = arith.addf %add3A, %get3A_10 : vector<512x128xf32>
    %mul3A = vector.broadcast %get3A_1 : vector<512x1xf32> to vector<512x128xf32>
    %mul3A_12 = arith.mulf %mul3A, %add3A_11 : vector<512x128xf32>
    %get3A_13 = arith.constant 0 : index
    %get3A_14 = arith.constant 0 : index
    %get3A_15 = vector.load %arg8[%get3A_13, %get3A_14] : memref<1x256xf32, #tpu.memory_space<vmem>>, vector<1x128xf32>
    %add3A_16 = vector.broadcast %get3A_15 : vector<1x128xf32> to vector<512x128xf32>
    %add3A_17 = arith.addf %mul3A_12, %add3A_16 : vector<512x128xf32>
    %max3A = arith.constant 0.000000e+00 : f32
    %max3A_18 = vector.broadcast %max3A : f32 to vector<512x128xf32>
    %max3A_19 = arith.maximumf %add3A_17, %max3A_18 : vector<512x128xf32>
    %get3A_20 = arith.constant 0 : index
    %get3A_21 = arith.constant 0 : index
    %get3A_22 = vector.load %arg3[%get3A_20, %get3A_21] : memref<512x128xf32, #tpu.memory_space<vmem>>, vector<512x128xf32>
    %get3A_23 = arith.constant 0 : index
    %get3A_24 = arith.constant 0 : index
    %get3A_25 = vector.load %arg4[%get3A_23, %get3A_24] : memref<512x128xf32, #tpu.memory_space<vmem>>, vector<512x128xf32>
    %add3A_26 = arith.addf %get3A_22, %get3A_25 : vector<512x128xf32>
    %get3A_27 = arith.constant 0 : index
    %get3A_28 = arith.constant 0 : index
    %get3A_29 = vector.load %arg6[%get3A_27, %get3A_28] : memref<512x128xf32, #tpu.memory_space<vmem>>, vector<512x128xf32>
    %add3A_30 = arith.addf %add3A_26, %get3A_29 : vector<512x128xf32>
    %mul3A_31 = vector.broadcast %get3A_1 : vector<512x1xf32> to vector<512x128xf32>
    %mul3A_32 = arith.mulf %mul3A_31, %add3A_30 : vector<512x128xf32>
    %get3A_33 = arith.constant 0 : index
    %get3A_34 = arith.constant 128 : index
    %get3A_35 = vector.load %arg8[%get3A_33, %get3A_34] : memref<1x256xf32, #tpu.memory_space<vmem>>, vector<1x128xf32>
    %add3A_36 = vector.broadcast %get3A_35 : vector<1x128xf32> to vector<512x128xf32>
    %add3A_37 = arith.addf %mul3A_32, %add3A_36 : vector<512x128xf32>
    %max3A_38 = arith.constant 0.000000e+00 : f32
    %max3A_39 = vector.broadcast %max3A_38 : f32 to vector<512x128xf32>
    %max3A_40 = arith.maximumf %add3A_37, %max3A_39 : vector<512x128xf32>
    %get3A_41 = arith.constant 0 : index
    %get3A_42 = arith.constant 0 : index
    %get3A_43 = vector.load %arg9[%get3A_41, %get3A_42] : memref<256x128xf32, #tpu.memory_space<vmem>>, vector<128x128xf32>
    %dot_general3A = arith.constant dense<0.000000e+00> : vector<512x128xf32>
    %dot_general3A_44 = tpu.matmul %max3A_19, %get3A_43, %dot_general3A {dimension_numbers = #tpu.dot_dimension_numbers<[1], [0], [0], [1], [0, 0, 1, 1], [], []>, transpose_lhs_hint = false} : vector<512x128xf32>, vector<128x128xf32>, vector<512x128xf32> -> vector<512x128xf32>
    %get3A_45 = arith.constant 128 : index
    %get3A_46 = arith.constant 0 : index
    %get3A_47 = vector.load %arg9[%get3A_45, %get3A_46] : memref<256x128xf32, #tpu.memory_space<vmem>>, vector<128x128xf32>
    %dot_general3A_48 = arith.constant dense<0.000000e+00> : vector<512x128xf32>
    %dot_general3A_49 = tpu.matmul %max3A_40, %get3A_47, %dot_general3A_48 {dimension_numbers = #tpu.dot_dimension_numbers<[1], [0], [0], [1], [0, 0, 1, 1], [], []>, transpose_lhs_hint = false} : vector<512x128xf32>, vector<128x128xf32>, vector<512x128xf32> -> vector<512x128xf32>
    %add3A_50 = arith.addf %dot_general3A_44, %dot_general3A_49 : vector<512x128xf32>
    %mul3A_51 = vector.broadcast %get3A_1 : vector<512x1xf32> to vector<512x128xf32>
    %mul3A_52 = arith.mulf %mul3A_51, %add3A_50 : vector<512x128xf32>
    %swap3A = arith.constant 0 : index
    %swap3A_53 = arith.constant 0 : index
    %swap3A_54 = vector.load %arg10[%swap3A, %swap3A_53] : memref<512x128xf32, #tpu.memory_space<vmem>>, vector<512x128xf32>
    tpu.vector_store %arg10[%swap3A, %swap3A_53], %mul3A_52 {strides = array<i32>} : memref<512x128xf32, #tpu.memory_space<vmem>>, vector<512x128xf32>,
    return
  }
  func.func @transform_0(%arg0: i32) -> (i32, i32) {
    %c0_i32 = arith.constant 0 : i32
    %c0_i32_0 = arith.constant 0 : i32
    return %arg0, %c0_i32 : i32, i32
  }
  func.func @transform_1(%arg0: i32) -> (i32, i32) {
    %c0_i32 = arith.constant 0 : i32
    %c0_i32_0 = arith.constant 0 : i32
    return %arg0, %c0_i32 : i32, i32
  }
  func.func @transform_2(%arg0: i32) -> (i32, i32) {
    %c0_i32 = arith.constant 0 : i32
    %c0_i32_0 = arith.constant 0 : i32
    return %arg0, %c0_i32 : i32, i32
  }
  func.func @transform_3(%arg0: i32) -> (i32, i32) {
    %c0_i32 = arith.constant 0 : i32
    %c0_i32_0 = arith.constant 0 : i32
    return %arg0, %c0_i32 : i32, i32
  }
  func.func @transform_4(%arg0: i32) -> (i32, i32) {
    %c0_i32 = arith.constant 0 : i32
    %c0_i32_0 = arith.constant 0 : i32
    return %arg0, %c0_i32 : i32, i32
  }
  func.func @transform_5(%arg0: i32) -> (i32, i32) {
    %c0_i32 = arith.constant 0 : i32
    %c0_i32_0 = arith.constant 0 : i32
    return %arg0, %c0_i32 : i32, i32
  }
  func.func @transform_6(%arg0: i32) -> (i32, i32) {
    %c0_i32 = arith.constant 0 : i32
    %c0_i32_0 = arith.constant 0 : i32
    return %arg0, %c0_i32 : i32, i32
  }
  func.func @transform_7(%arg0: i32) -> (i32, i32) {
    %c0_i32 = arith.constant 0 : i32
    %c0_i32_0 = arith.constant 0 : i32
    %c0_i32_1 = arith.constant 0 : i32
    return %c0_i32, %c0_i32_0 : i32, i32
  }
  func.func @transform_8(%arg0: i32) -> (i32, i32) {
    %c0_i32 = arith.constant 0 : i32
    %c0_i32_0 = arith.constant 0 : i32
    %c0_i32_1 = arith.constant 0 : i32
    return %c0_i32, %c0_i32_0 : i32, i32
  }
  func.func @transform_9(%arg0: i32) -> (i32, i32) {
    %c0_i32 = arith.constant 0 : i32
    %c0_i32_0 = arith.constant 0 : i32
    return %arg0, %c0_i32 : i32, i32
  }
}

module attributes {stable_mosaic.version = 14 : i64} {
  func.func @_tc4_body(%arg0: i32, %arg1: memref<512x128xf32, #tpu.memory_space<vmem>>, %arg2: memref<512x128xf32, #tpu.memory_space<vmem>>, %arg3: memref<512x128xf32, #tpu.memory_space<vmem>>, %arg4: memref<512x8xf32, #tpu.memory_space<vmem>>, %arg5: memref<1x128xf32, #tpu.memory_space<vmem>>, %arg6: memref<512x1xi32, #tpu.memory_space<vmem>>, %arg7: memref<64x128xf32, #tpu.memory_space<vmem>>) attributes {dimension_semantics = [#tpu.dimension_semantics<arbitrary>], iteration_bounds = array<i64: 20>, scalar_prefetch = 0 : i64, scratch_operands = 0 : i64, tpu.core_type = #tpu.core_type<tc>, window_params = [{transform_indices = @transform_0, window_bounds = array<i64: 512, 128>}, {transform_indices = @transform_1, window_bounds = array<i64: 512, 128>}, {transform_indices = @transform_2, window_bounds = array<i64: 512, 128>}, {transform_indices = @transform_3, window_bounds = array<i64: 512, 8>}, {pipeline_mode = #tpu.pipeline_mode<synchronous>, transform_indices = @transform_4, window_bounds = array<i64: 1, 128>}, {transform_indices = @transform_5, window_bounds = array<i64: 512, 1>}, {pipeline_mode = #tpu.pipeline_mode<synchronous>, transform_indices = @transform_6, window_bounds = array<i64: 64, 128>}]} {
    %eq3A = arith.constant 0 : i32
    %eq3A_0 = arith.cmpi eq, %arg0, %eq3A : i32
    %convert_element_type3A = arith.extui %eq3A_0 : i1 to i32
    %cond3A = arith.constant 0 : i32
    %cond3A_1 = arith.cmpi ne, %convert_element_type3A, %cond3A : i32
    scf.if %cond3A_1 {
      %broadcast_in_dim3A_34 = arith.constant 0xFF800000 : f32
      %broadcast_in_dim3A_35 = vector.broadcast %broadcast_in_dim3A_34 : f32 to vector<64x128xf32>
      %swap3A_36 = arith.constant 0 : index
      %swap3A_37 = arith.constant 0 : index
      %swap3A_38 = vector.load %arg7[%swap3A_36, %swap3A_37] : memref<64x128xf32, #tpu.memory_space<vmem>>, vector<64x128xf32>
      tpu.vector_store %arg7[%swap3A_36, %swap3A_37], %broadcast_in_dim3A_35 {strides = array<i32>} : memref<64x128xf32, #tpu.memory_space<vmem>>, vector<64x128xf32>,
    } else {
    }
    %get3A = arith.constant 0 : index
    %get3A_2 = arith.constant 0 : index
    %get3A_3 = vector.load %arg4[%get3A, %get3A_2] : memref<512x8xf32, #tpu.memory_space<vmem>>, vector<512x1xf32>
    %get3A_4 = arith.constant 0 : index
    %get3A_5 = arith.constant 0 : index
    %get3A_6 = vector.load %arg1[%get3A_4, %get3A_5] : memref<512x128xf32, #tpu.memory_space<vmem>>, vector<512x128xf32>
    %get3A_7 = arith.constant 0 : index
    %get3A_8 = arith.constant 0 : index
    %get3A_9 = vector.load %arg2[%get3A_7, %get3A_8] : memref<512x128xf32, #tpu.memory_space<vmem>>, vector<512x128xf32>
    %add3A = arith.addf %get3A_6, %get3A_9 : vector<512x128xf32>
    %get3A_10 = arith.constant 0 : index
    %get3A_11 = arith.constant 0 : index
    %get3A_12 = vector.load %arg3[%get3A_10, %get3A_11] : memref<512x128xf32, #tpu.memory_space<vmem>>, vector<512x128xf32>
    %add3A_13 = arith.addf %add3A, %get3A_12 : vector<512x128xf32>
    %mul3A = vector.broadcast %get3A_3 : vector<512x1xf32> to vector<512x128xf32>
    %mul3A_14 = arith.mulf %mul3A, %add3A_13 : vector<512x128xf32>
    %get3A_15 = arith.constant 0 : index
    %get3A_16 = arith.constant 0 : index
    %get3A_17 = vector.load %arg5[%get3A_15, %get3A_16] : memref<1x128xf32, #tpu.memory_space<vmem>>, vector<1x128xf32>
    %add3A_18 = vector.broadcast %get3A_17 : vector<1x128xf32> to vector<512x128xf32>
    %add3A_19 = arith.addf %mul3A_14, %add3A_18 : vector<512x128xf32>
    %get3A_20 = arith.constant 0 : index
    %get3A_21 = arith.constant 0 : index
    %get3A_22 = vector.load %arg6[%get3A_20, %get3A_21] : memref<512x1xi32, #tpu.memory_space<vmem>>, vector<512x1xi32>
    %iota3A = tpu.iota {dimensions = array<i32: 0>} : vector<64x1xi32>
    %broadcast_in_dim3A = arith.constant 0xFF800000 : f32
    %broadcast_in_dim3A_23 = vector.broadcast %broadcast_in_dim3A : f32 to vector<64x128xf32>
    %scan3A = arith.constant 0 : i32
    %scan3A_24 = arith.constant 64 : i32
    %scan3A_25 = arith.addi %scan3A, %scan3A_24 : i32
    %scan3A_26 = arith.constant 1 : i32
    %scan3A_27 = scf.for %scan3A_34 = %scan3A to %scan3A_25 step %scan3A_26 iter_args(%scan3A_35 = %broadcast_in_dim3A_23) -> (vector<64x128xf32>)  : i32 {
      %eq3A_36 = vector.broadcast %scan3A_34 : i32 to vector<512x1xi32>
      %eq3A_37 = arith.cmpi eq, %get3A_22, %eq3A_36 : vector<512x1xi32>
      %jit3A = arith.constant 0xFF800000 : f32
      %broadcast_in_dim3A_38 = vector.shape_cast %eq3A_37 : vector<512x1xi1> to vector<512x1xi1>
      %broadcast_in_dim3A_39 = vector.broadcast %broadcast_in_dim3A_38 : vector<512x1xi1> to vector<512x128xi1>
      %broadcast_in_dim3A_40 = vector.broadcast %jit3A : f32 to vector<512x128xf32>
      %select_n3A = arith.select %broadcast_in_dim3A_39, %add3A_19, %broadcast_in_dim3A_40 : vector<512x128xi1>, vector<512x128xf32>
      %reduce_max3A = arith.constant dense<0xFF800000> : vector<128xf32>
      %reduce_max3A_41 = vector.multi_reduction <maximumf>, %select_n3A, %reduce_max3A [0] : vector<512x128xf32> to vector<128xf32>
      %broadcast_in_dim3A_42 = vector.shape_cast %reduce_max3A_41 : vector<128xf32> to vector<1x128xf32>
      %eq3A_43 = vector.broadcast %scan3A_34 : i32 to vector<64x1xi32>
      %eq3A_44 = arith.cmpi eq, %iota3A, %eq3A_43 : vector<64x1xi32>
      %jit3A_45 = arith.constant 0xFF800000 : f32
      %broadcast_in_dim3A_46 = vector.shape_cast %eq3A_44 : vector<64x1xi1> to vector<64x1xi1>
      %broadcast_in_dim3A_47 = vector.broadcast %broadcast_in_dim3A_46 : vector<64x1xi1> to vector<64x128xi1>
      %broadcast_in_dim3A_48 = vector.shape_cast %broadcast_in_dim3A_42 : vector<1x128xf32> to vector<1x128xf32>
      %broadcast_in_dim3A_49 = vector.broadcast %broadcast_in_dim3A_48 : vector<1x128xf32> to vector<64x128xf32>
      %broadcast_in_dim3A_50 = vector.broadcast %jit3A_45 : f32 to vector<64x128xf32>
      %select_n3A_51 = arith.select %broadcast_in_dim3A_47, %broadcast_in_dim3A_49, %broadcast_in_dim3A_50 : vector<64x128xi1>, vector<64x128xf32>
      %max3A_52 = arith.maximumf %scan3A_35, %select_n3A_51 : vector<64x128xf32>
      scf.yield %max3A_52 : vector<64x128xf32>
    }
    %scan3A_28 = arith.constant 64 : i32
    %get3A_29 = arith.constant 0 : index
    %get3A_30 = arith.constant 0 : index
    %get3A_31 = vector.load %arg7[%get3A_29, %get3A_30] : memref<64x128xf32, #tpu.memory_space<vmem>>, vector<64x128xf32>
    %max3A = arith.maximumf %get3A_31, %scan3A_27 : vector<64x128xf32>
    %swap3A = arith.constant 0 : index
    %swap3A_32 = arith.constant 0 : index
    %swap3A_33 = vector.load %arg7[%swap3A, %swap3A_32] : memref<64x128xf32, #tpu.memory_space<vmem>>, vector<64x128xf32>
    tpu.vector_store %arg7[%swap3A, %swap3A_32], %max3A {strides = array<i32>} : memref<64x128xf32, #tpu.memory_space<vmem>>, vector<64x128xf32>,
    return
  }
  func.func @transform_0(%arg0: i32) -> (i32, i32) {
    %c0_i32 = arith.constant 0 : i32
    %c0_i32_0 = arith.constant 0 : i32
    return %arg0, %c0_i32 : i32, i32
  }
  func.func @transform_1(%arg0: i32) -> (i32, i32) {
    %c0_i32 = arith.constant 0 : i32
    %c0_i32_0 = arith.constant 0 : i32
    return %arg0, %c0_i32 : i32, i32
  }
  func.func @transform_2(%arg0: i32) -> (i32, i32) {
    %c0_i32 = arith.constant 0 : i32
    %c0_i32_0 = arith.constant 0 : i32
    return %arg0, %c0_i32 : i32, i32
  }
  func.func @transform_3(%arg0: i32) -> (i32, i32) {
    %c0_i32 = arith.constant 0 : i32
    %c0_i32_0 = arith.constant 0 : i32
    return %arg0, %c0_i32 : i32, i32
  }
  func.func @transform_4(%arg0: i32) -> (i32, i32) {
    %c0_i32 = arith.constant 0 : i32
    %c0_i32_0 = arith.constant 0 : i32
    %c0_i32_1 = arith.constant 0 : i32
    return %c0_i32, %c0_i32_0 : i32, i32
  }
  func.func @transform_5(%arg0: i32) -> (i32, i32) {
    %c0_i32 = arith.constant 0 : i32
    %c0_i32_0 = arith.constant 0 : i32
    return %arg0, %c0_i32 : i32, i32
  }
  func.func @transform_6(%arg0: i32) -> (i32, i32) {
    %c0_i32 = arith.constant 0 : i32
    %c0_i32_0 = arith.constant 0 : i32
    %c0_i32_1 = arith.constant 0 : i32
    return %c0_i32, %c0_i32_0 : i32, i32
  }
}

</mosaic_0001>

<sc_bundles>
// kernel: kernel.11.cloned.1.call-start
scs
__scs_entry_jumppad:
0x0: {  	(pc) =	sbr.rel $0x88, $3  }
0x1: {  	(tag) =	ssettag $0x0;
	lr =	simm.s32 $0x1  }
0x2: {  	[smem:$0x3F98] =	sst lr;
	_ =	strace $0xD0000000  }
0x3: {  	_ = 	snop  }
0x4: {  	_ = 	snop  }
0x5: {  	_ = 	snop  }
0x6: {  	_ = 	snop  }
0x7: {  	_ = 	snop  }
__scs_overlays_trampoline_lowered:
0x8: {  	[smem:$0x3FA7] =	sst s0  }
0x9: {  	[smem:$0x3FA8] =	sst s1  }
0xa: {  	[smem:$0x3FA9] =	sst s2  }
0xb: {  	[smem:$0x3FAA] =	sst s3  }
0xc: {  	[smem:$0x3FAB] =	sst s4  }
0xd: {  	[smem:$0x3FAC] =	sst s5  }
0xe: {  	[smem:$0x3FAD] =	sst s6  }
0xf: {  	[smem:$0x3FAE] =	sst s7  }
0x10: {  	[smem:$0x3FAF] =	sst s8  }
0x11: {  	[smem:$0x3FB0] =	sst s9;
	s0 =	simm.s32 @!p0 $0x0  }
0x12: {  	s1 =	sld [smem:$0x3F96];
	s0 =	simm.s32 @p0 $0x1  }
0x13: {  	[smem:$0x3FB1] =	sst s0;
	s0 =	simm.s32 @!p1 $0x0  }
0x14: {  	s2 =	sld [smem:$0x3F95];
	s0 =	simm.s32 @p1 $0x1  }
0x15: {  	[smem:$0x3FB2] =	sst s0;
	s0 =	simm.s32 @!p2 $0x0  }
0x16: {  	s3 =	sld [smem:$0x3FDB];
	s0 =	simm.s32 @p2 $0x1  }
0x17: {  	s4 =	simm.s32 $0x1BF5;
	[smem:$0x3FB4] =	sst s0  }
0x18: {  	s0 =	sld [smem:$0x3F97];
	_ =	swait.ge [sflag:s4], $0x0  }
0x19: {  	s7 =	sld [smem:$0x3F98]  }
0x1a: {  	s8 =	sadd.s32 $0xFFFFE003, lr  }
0x1b: {  	s9 =	sadd.s32 $0xFFFFFEF7, lr;
	s5 =	simm.s32 $0xFFFFFFFF;
	p2 =	slt.u32 s8, $0xFFFFF086  }
0x1c: {  	p1 =	slt.u32 s9, $0xF7A;
	s5 =	simm.s32 @!p2 $0x0  }
0x1d: {  	s5 =	simm.s32 @p1 $0x1;
	p0 =	seq.s32 s7, s2  }
0x1e: {  	s7 =	smul.u32 @!p0 $0xF7A, s2;
	p2 =	seq.s32 @!p0 s5, $0x0  }
0x1f: {  	s9 =	smul.u32 $0xF7A, s1;
	s8 =	simm.s32 @!p0 $0x1BF5;
	p2 =	por !p2, p0  }
0x20: {  	[sflag:s8] =	ssyncset.s32 @!p0 $0xFFFFF086;
	s6 =	sadd.s32 @!p0 s3, s7;
	s7 =	simm.s32 @!p0 $0x108  }
0x21: {  	s3 =	sadd.s32 s3, s9;
	s6 =	sadd.s32 @!p0 $0x88, s6;
	s7 =	simm.s32 @p2 $0x1082  }
0x22: {  	[simem:s7], [sflag:s8] =	dma.local @!p0 [hbm:s6], $0xF7A  }
0x23: {  	s9 =	sor.u32 $0xD0000000, s2;
	s6 =	simm.s32 $0x108;
	_ =	swait.ge @!p0 [sflag:s8], $0x0  }
0x24: {  	s3 =	sadd.s32 $0x88, s3;
	s6 =	simm.s32 @!p1 $0x1082;
	[sflag:s4] =	ssyncset.s32 $0xFFFFF086  }
0x25: {  	[simem:s6], [sflag:s4] =	dma.local [hbm:s3], $0xF7A  }
0x26: {  	[smem:$0x3F98] =	sst s1;
	(tag) =	ssettag s2;
	_ =	strace s9  }
0x27: {  	s1 =	sld [smem:$0x3FA8]  }
0x28: {  	s2 =	sld [smem:$0x3FA9]  }
0x29: {  	s4 =	sld [smem:$0x3FAB]  }
0x2a: {  	p0 =	seq.s32 s5, $0x0;
	s5 =	sld [smem:$0x3FAC]  }
0x2b: {  	s6 =	sld [smem:$0x3FAD]  }
0x2c: {  	s7 =	sld [smem:$0x3FAE]  }
0x2d: {  	s3 =	simm.s32 $0x108;
	s8 =	sld [smem:$0x3FAF]  }
0x2e: {  	s3 =	simm.s32 @!p0 $0x1082;
	s9 =	sld [smem:$0x3FB0]  }
0x2f: {  	lr =	sadd.s32 s0, s3;
	s0 =	sld [smem:$0x3FA7]  }
0x30: {  	s3 =	sld [smem:$0x3FAA]  }
0x31: {  	[smem:$0x3FB3] =	sst s10  }
0x32: {  	s10 =	sld [smem:$0x3FB1];
	_ =	sdelay $0x3  }
0x33: {  	p0 =	seq.s32 s10, $0x1;
	s10 =	sld [smem:$0x3FB3];
	_ =	sdelay $0x3  }
0x34: {  	[smem:$0x3FB3] =	sst s10  }
0x35: {  	s10 =	sld [smem:$0x3FB2];
	_ =	sdelay $0x3  }
0x36: {  	p1 =	seq.s32 s10, $0x1;
	s10 =	sld [smem:$0x3FB3];
	_ =	sdelay $0x3  }
0x37: {  	[smem:$0x3FB3] =	sst s10  }
0x38: {  	s10 =	sld [smem:$0x3FB4]  }
0x39: {  	_ = 	snop;
	(pc) =	sbr.ind lr, $3  }
0x3a: {  	_ = 	snop  }
0x3b: {  	_ = 	snop  }
0x3c: {  	p2 =	seq.s32 s10, $0x1;
	s10 =	sld [smem:$0x3FB3]  }
0x3d: {  	_ =	shalt  }
0x3e: {  	_ =	shalt  }
0x3f: {  	_ =	shalt  }
0x40: {  	_ =	shalt  }
0x41: {  	_ =	shalt  }
0x42: {  	_ =	shalt  }
0x43: {  	_ =	shalt  }
0x44: {  	_ =	shalt  }
0x45: {  	_ =	shalt  }
0x46: {  	_ =	shalt  }
0x47: {  	_ =	shalt  }
0x48: {  	_ =	shalt  }
0x49: {  	_ =	shalt  }
0x4a: {  	_ =	shalt  }
0x4b: {  	_ =	shalt  }
0x4c: {  	_ =	shalt  }
0x4d: {  	_ =	shalt  }
0x4e: {  	_ =	shalt  }
0x4f: {  	_ =	shalt  }
0x50: {  	_ =	shalt  }
0x51: {  	_ =	shalt  }
0x52: {  	_ =	shalt  }
0x53: {  	_ =	shalt  }
0x54: {  	_ =	shalt  }
0x55: {  	_ =	shalt  }
0x56: {  	_ =	shalt  }
0x57: {  	_ =	shalt  }
0x58: {  	_ =	shalt  }
0x59: {  	_ =	shalt  }
0x5a: {  	_ =	shalt  }
0x5b: {  	_ =	shalt  }
0x5c: {  	_ =	shalt  }
0x5d: {  	_ =	shalt  }
0x5e: {  	_ =	shalt  }
0x5f: {  	_ =	shalt  }
0x60: {  	_ =	shalt  }
0x61: {  	_ =	shalt  }
0x62: {  	_ =	shalt  }
0x63: {  	_ =	shalt  }
0x64: {  	_ =	shalt  }
0x65: {  	_ =	shalt  }
0x66: {  	_ =	shalt  }
0x67: {  	_ =	shalt  }
0x68: {  	_ =	shalt  }
0x69: {  	_ =	shalt  }
0x6a: {  	_ =	shalt  }
0x6b: {  	_ =	shalt  }
0x6c: {  	_ =	shalt  }
0x6d: {  	_ =	shalt  }
0x6e: {  	_ =	shalt  }
0x6f: {  	_ =	shalt  }
0x70: {  	_ =	shalt  }
0x71: {  	_ =	shalt  }
0x72: {  	_ =	shalt  }
0x73: {  	_ =	shalt  }
0x74: {  	_ =	shalt  }
0x75: {  	_ =	shalt  }
0x76: {  	_ =	shalt  }
0x77: {  	_ =	shalt  }
0x78: {  	_ =	shalt  }
0x79: {  	_ =	shalt  }
0x7a: {  	_ =	shalt  }
0x7b: {  	_ =	shalt  }
0x7c: {  	_ =	shalt  }
0x7d: {  	_ =	shalt  }
0x7e: {  	_ =	shalt  }
0x7f: {  	_ =	shalt  }
0x80: {  	_ =	shalt  }
0x81: {  	_ =	shalt  }
0x82: {  	_ =	shalt  }
0x83: {  	_ =	shalt  }
0x84: {  	_ =	shalt  }
0x85: {  	_ =	shalt  }
0x86: {  	_ =	shalt  }
0x87: {  	_ =	shalt  }
.Lfunc_end0:
.L_simem_size_0:
called_computation_lowered:
.L_overlay_start_0:
0x88: {  	s2 =	sld [smem:$0x3FD9]  }
0x89: {  	s3 =	sld [smem:$0x3FFE];
	_ =	sdelay $0x1  }
0x8a: {  	s1 =	srdreg.scid  }
0x8b: {  	s0 =	sand.u32 $0x1, s1  }
0x8c: {  	s16 =	sshll.u32 s0, $0xA;
	s2 =	sadd.s32 s3, s2  }
0x8d: {  	s2 =	sadd.s32 s2, s16  }
0x8e: {  	[smem:$0x3FBF] =	sst s2  }
0x8f: {  	_ = 	snop  }
0x90: {  	(tm) =	ssettm $0x1  }
0x91: {  	s17 =	sld [smem:$0x3FFB];
	_ =	sdelay $0x3  }
0x92: {  	_ =	strace s17  }
0x93: {  	s2 =	sld [smem:$0x3FFC];
	_ =	sdelay $0x3  }
0x94: {  	_ =	strace s2  }
0x95: {  	s2 =	sld [smem:$0x3FFD];
	_ =	sdelay $0x3  }
0x96: {  	_ =	strace s2  }
0x97: {  	_ =	strace $0x8FFFFFFF  }
0x98: {  	s18 =	sld [smem:$0x3FDB];
	_ =	sdelay $0x1  }
0x99: {  	s19 =	simm.s32 $_scs_section_size  }
0x9a: {  	s4 =	simm.s32 $_size__tile_overlayer_lowered;
	s5 =	simm.s32 $_tile_overlayer_lowered  }
0x9b: {  	s22 =	simm.s32 $0x1BFF;
	s21 =	sshll.u32 s5, $0x1;
	s2 =	sadd.s32 s19, s18  }
0x9c: {  	s6 =	simm.s32 $0x0;
	s20 =	sshll.u32 s4, $0x1;
	s4 =	sadd.s32 s21, s2  }
0x9d: {  	[timem:s6], [sflag:s22] =	dma.local [hbm:s4], s20  }
0x9e: {  	_ =	swait.ge [sflag:s22], s20  }
0x9f: {  	s3 =	ssub.s32 $0x0, s20;
	[sflag:s22] =	ssyncset.done $0x0  }
0xa0: {  	[sflag:s22] =	ssyncadd.s32 s3;
	_ =	sdelay $0x1  }
0xa1: {  	s23 =	simm.s32 $0x1B8B  }
0xa2: {  	_ =	swait.ge [sflag:s23], $0x1  }
0xa3: {  	[sflag:s23] =	ssyncset.done $0x0  }
0xa4: {  	s25 =	simm.s32 $0x1B8E;
	s24 =	sld [smem:$0x3FFE];
	[sflag:s23] =	ssyncadd.s32 $0xFFFFFFFF  }
0xa5: {  	s26 =	simm.s32 $execute0_lowered;
	[smem:$0x3FD2] =	sst s25  }
0xa6: {  	s4 =	sshll.u32 s26, $0x1;
	_ =	strace $0x80000046;
	[dreg:$0x1] =	wrdreg $0xFFFFFFFF  }
0xa7: {  	s28 =	simm.s32 $_size_execute0_lowered;
	s2 =	sadd.s32 s2, s4;
	[dreg:$0x0] =	wrdreg $0x0  }
0xa8: {  	s4 =	sshll.u32 s28, $0x1;
	[dreg:$0x2] =	wrdreg s2  }
0xa9: {  	[dreg:$0x3] =	wrdreg s4  }
0xaa: {  	[dreg:$0x4] =	wrdreg $0xC0  }
0xab: {  	_ =	task [dreg:s6], $0x5FFFF  }
0xac: {  	[dreg:$0x1] =	wrdreg $0xFFFFFFFF  }
0xad: {  	[dreg:$0x0] =	wrdreg $0x60  }
0xae: {  	[dreg:$0x2] =	wrdreg s24  }
0xaf: {  	[dreg:$0x3] =	wrdreg $0x90000  }
0xb0: {  	[dreg:$0x4] =	wrdreg $0x9  }
0xb1: {  	_ =	task.clear_ibuf [dreg:s6], $0x5FFFF;
	_ =	strace $0x90000046  }
0xb2: {  	s29 =	simm.s32 $0x9;
	_ =	strace $0x80000048  }
0xb3: {  	_ =	swait.ge [sflag:s29], $0x1  }
0xb4: {  	[sflag:s29] =	ssyncadd.s32 $0xFFFFFFFF  }
0xb5: {  	_ =	strace $0x90000048  }
0xb6: {  	_ =	sfence  }
0xb7: {  	s30 =	sld [smem:$0x0];
	_ =	sdelay $0x2  }
0xb8: {  	s31 =	sshll.u32 s1, $0xD;
	s1 =	sshrl.u32 s1, $0x2  }
0xb9: {  	s3 =	sand.u32 $0x4000, s31;
	s1 =	sadd.s32 s1, s30  }
0xba: {  	s0 =	sor.u32 s3, s0;
	s1 =	sshll.u32 s1, $0x11  }
0xbb: {  	s0 =	sor.u32 s1, s0  }
0xbc: {  	s0 =	sadd.s32 $0x8F2B, s0  }
0xbd: {  	[sflag:s0] =	ssyncadd.remote.s32 $0x1  }
0xbe: {  	_ =	sfence.sel $0xFFFF  }
0xbf: {  	[dreg:$0x0] =	wrdreg $0xFFFFFFFF;
	(pc) =	sbr.abs _section_cstart, $3  }
0xc0: {  	[dreg:$0x1] =	wrdreg $0xFFFFFFFF  }
0xc1: {  	_ =	task.clear_ibuf [dreg:s6], $0x2FFFF;
	_ =	strace $0x9FFFFFFF  }
0xc2: {  	(tm) =	ssettm $0x7FFFFFFF  }
0xc3: {  	_ =	shalt  }
tec
execute0_lowered:
.L_overlay_start_1:
0x0: {  	(tag) =	ssettag $0x1  }
0x1: {  	s9 =	rddreg [dreg:$0x0]  }
0x2: {  	s0 =	srdreg.scid;
	s2 =	rddreg [dreg:$0x1]  }
0x3: {  	s3 =	simm.s32 $0x0;
	s13 =	simm.s32 $0x6C600;
	s15 =	simm.s32 $0x5000  }
0x4: {  	s16 =	simm.s32 $0x1;
	s17 =	simm.s32 $0x0;
	s6 =	sand.u32 $0x1, s0  }
0x5: {  	s0 =	stileid.u32;
	[smem:$0x7FF] =	sst s3;
	s1 =	sshll.u32 s6, $0x4  }
0x6: {  	s7 =	smul.u32 $0x50000, s0;
	s8 =	ssub.s32 $0x2, s6;
	s30 =	sshll.u32 s0, $0x6  }
0x7: {  	p0 =	seq.s32 s6, $0x1;
	s14 =	smul.u32 $0x2800, s0;
	s4 =	sor.u32 s0, s1  }
0x8: {  	s1 =	rddreg [dreg:$0x2];
	_ =	strace $0x80000047;
	s11 =	sshrl.u32 s8, $0x1  }
0x9: {  	s6 =	sor.u32 $0x1C02, s30;
	s13 =	simm.s32 @!p0 $0x44600;
	s5 =	smul.u32 $0x500, s4  }
0xa: {  	s4 =	sadd.s32 $0x1C600, s9;
	s7 =	sshrl.u32 s7, $0x2;
	s11 =	ssub.s32 s8, s11  }
0xb: {  	s31 =	sadd.s32 s13, s9;
	s13 =	simm.s32 $0x2800;
	s12 =	sadd.s32 s7, s2  }
0xc: {  	s10 =	sadd.s32 s5, s9;
	s5 =	sadd.s32 $0x19E00, s9;
	s9 =	smax.u32 s11, $0x1  }
0xd: {  	s11 =	sshrl.u32 s12, $0x3;
	s12 =	simm.s32 $0x2;
	s7 =	sadd.s32 $0x5E00, s10  }
0xe: {  	s8 =	sadd.s32 $0xFE00, s10;
	s10 =	sadd.s32 s31, s14;
	s14 =	simm.s32 $0x80  }
.LBB2_1:
0xf: {  	[spmem:s11], [sflag:s6] =	dma.local [hbm:s5], $0x2800  }
0x10: {  	_ =	swait.ge [sflag:s12], $0x2800  }
0x11: {  	[sflag:s12] =	ssyncset.done $0x0  }
0x12: {  	[sflag:s12] =	ssyncadd.s32 $0xFFFFD800  }
0x13: {  	[tilespmem:s3], [sflag:$0x2] =	stream.linear.gather [hbm4b:s7+s3], $0x2780, $0x38;
	[tilespmem:$0x1D000] =	vst v63  }
0x14: {  	_ =	swait.ge [sflag:s12], $0x2780  }
0x15: {  	[sflag:s12] =	ssyncset.done $0x0  }
0x16: {  	[sflag:s12] =	ssyncadd.s32 $0xFFFFD880  }
0x17: {  	[tilespmem:s13], [sflag:$0x2] =	stream.linear.gather [hbm4b:s8+s3], $0x2780, $0x38;
	[tilespmem:$0x1D000] =	vst v63  }
0x18: {  	_ =	swait.ge [sflag:s12], $0x2780  }
0x19: {  	[sflag:s12] =	ssyncset.done $0x0  }
0x1a: {  	[sflag:s12] =	ssyncadd.s32 $0xFFFFD880  }
0x1b: {  	s18 =	simm.s32 $0x0;
	[bflag:$0x0] =	sbarrier.arrive $0xFFFF  }
0x1c: {  	[tilespmem:s15], [sflag:$0x1] =	stream.indirect.gather [hbm4b:s4+s14], $0x80, s18, s14, $0xb8;
	[tilespmem:$0x1D000] =	vst v63  }
0x1d: {  	_ =	swait.ge [sflag:s16], $0x4000  }
0x1e: {  	[sflag:s16] =	ssyncset.done $0x0  }
0x1f: {  	s31 =	simm.s32 $0x2800;
	[sflag:s16] =	ssyncadd.s32 $0xFFFFC000  }
0x20: {  	[spmem:s2] =	stream.indirect.scatter.add.f32 [tilespmem:s15], [sflag:$0x2], $0x80, s31, s14, $0xb8;
	[tilespmem:$0x1D000] =	vst v63  }
0x21: {  	_ =	swait.ge [sflag:s12], $0x4000  }
0x22: {  	s19 =	simm.s32 $0x400;
	s18 =	simm.s32 $0x200;
	[sflag:s12] =	ssyncset.done $0x0  }
.LBB2_2:
0x23: {  	s20 =	sshra.s32 s18, $0x2  }
0x24: {  	[sflag:s12] =	ssyncadd.s32 $0xFFFFC000;
	s18 =	smov.u32 s19;
	s21 =	sadd.s32 $0x200, s19  }
0x25: {  	[tilespmem:s15], [sflag:$0x1] =	stream.indirect.gather [hbm4b:s4+s14], $0x80, s20, s14, $0xb8;
	[tilespmem:$0x1D000] =	vst v63  }
0x26: {  	p0 =	sne.s32 s19, $0x9C00;
	_ =	swait.ge [sflag:s16], $0x4000  }
.Ltmp0:
0x27: {  	[sflag:s16] =	ssyncset.done $0x0;
	(pc) =	sbr.rel @p0 .LBB2_2-.Ltmp0, $4  }
0x28: {  	s19 =	sadd.s32 $0x2800, s20;
	[sflag:s16] =	ssyncadd.s32 $0xFFFFC000  }
0x29: {  	[spmem:s2] =	stream.indirect.scatter.add.f32 [tilespmem:s15], [sflag:$0x2], $0x80, s19, s14, $0xb8;
	[tilespmem:$0x1D000] =	vst v63  }
0x2a: {  	_ =	swait.ge [sflag:s12], $0x4000  }
0x2b: {  	s19 =	smov.u32 s21;
	[sflag:s12] =	ssyncset.done $0x0  }
0x2c: {  	s18 =	sshra.s32 s18, $0x2;
	[sflag:s12] =	ssyncadd.s32 $0xFFFFC000  }
0x2d: {  	[tilespmem:s15], [sflag:$0x1] =	stream.indirect.gather [hbm4b:s4+s14], $0x80, s18, s14, $0xb8;
	[tilespmem:$0x1D000] =	vst v63  }
0x2e: {  	_ =	swait.ge [sflag:s16], $0x4000  }
0x2f: {  	[sflag:s16] =	ssyncset.done $0x0  }
0x30: {  	s18 =	sadd.s32 $0x2800, s18;
	[sflag:s16] =	ssyncadd.s32 $0xFFFFC000  }
0x31: {  	[spmem:s2] =	stream.indirect.scatter.add.f32 [tilespmem:s15], [sflag:$0x2], $0x80, s18, s14, $0xb8;
	[tilespmem:$0x1D000] =	vst v63  }
0x32: {  	_ =	swait.ge [sflag:s12], $0x4000  }
0x33: {  	s17 =	sadd.s32 $0x1, s17;
	[sflag:s12] =	ssyncset.done $0x0  }
0x34: {  	p0 =	sne.s32 s17, s9;
	[sflag:s12] =	ssyncadd.s32 $0xFFFFC000  }
.Ltmp1:
0x35: {  	[bflag:$0x0] =	sbarrier.arrive $0xFFFF;
	(pc) =	sbr.rel @p0 .LBB2_1-.Ltmp1, $4  }
0x36: {  	[hbm:s10], [sflag:s6] =	dma.local [spmem:s11], $0x2800  }
0x37: {  	_ =	swait.ge [sflag:s12], $0x2800  }
0x38: {  	[sflag:s12] =	ssyncset.done $0x0  }
0x39: {  	[sflag:s12] =	ssyncadd.s32 $0xFFFFD800  }
0x3a: {  	_ =	sfence.sel $0x180000  }
0x3b: {  	[bflag:$0x0] =	sbarrier.arrive $0xFFFF  }
0x3c: {  	p0 =	sne.s32 s0, $0x0;
	_ =	strace $0x90000047  }
0x3d: {  	s0 =	sadd.s32 @!p0 $0x100000, s1;
	[bflag:$0x2] =	sbarrier.arrive $0xFFFF  }
0x3e: {  	[sflag:s0] =	ssyncadd.tile.s32 @!p0 $0x1;
	_ =	shalt  }
.Lfunc_end2:
_tile_overlayer_lowered:
.L_overlay_start_2:
0x3f: {  	(tag) =	ssettag $0x2  }
0x40: {  	s0 =	rddreg [dreg:$0x0];
	s2 =	stileid.u32  }
0x41: {  	s1 =	rddreg [dreg:$0x1];
	p0 =	sne.s32 s2, $0x0  }
0x42: {  	s3 =	rddreg [dreg:$0x2];
	[bflag:$0x3] =	sbarrier.arrive $0xFFFF;
	s2 =	simm.s32 @!p0 $0x1C02  }
0x43: {  	[timem:s3], [sflag:s2] =	dma.local @!p0 [hbm:s0], s1  }
0x44: {  	s0 =	simm.s32 @!p0 $0x2  }
0x45: {  	_ =	swait.ge @!p0 [sflag:s0], s1  }
0x46: {  	s1 =	ssub.s32 @!p0 $0x0, s1;
	[sflag:s0] =	ssyncset.done @!p0 $0x0  }
0x47: {  	[sflag:s0] =	ssyncadd.s32 @!p0 s1  }
0x48: {  	[bflag:$0x3] =	sbarrier.arrive $0xFFFF  }
0x49: {  	_ =	shalt  }

// kernel: kernel.14.cloned.1.call-start
scs
__scs_entry_jumppad:
0x0: {  	(pc) =	sbr.rel $0x88, $3  }
0x1: {  	(tag) =	ssettag $0x0;
	lr =	simm.s32 $0x1  }
0x2: {  	[smem:$0x3F98] =	sst lr;
	_ =	strace $0xD0000000  }
0x3: {  	_ = 	snop  }
0x4: {  	_ = 	snop  }
0x5: {  	_ = 	snop  }
0x6: {  	_ = 	snop  }
0x7: {  	_ = 	snop  }
__scs_overlays_trampoline_lowered:
0x8: {  	[smem:$0x3FA7] =	sst s0  }
0x9: {  	[smem:$0x3FA8] =	sst s1  }
0xa: {  	[smem:$0x3FA9] =	sst s2  }
0xb: {  	[smem:$0x3FAA] =	sst s3  }
0xc: {  	[smem:$0x3FAB] =	sst s4  }
0xd: {  	[smem:$0x3FAC] =	sst s5  }
0xe: {  	[smem:$0x3FAD] =	sst s6  }
0xf: {  	[smem:$0x3FAE] =	sst s7  }
0x10: {  	[smem:$0x3FAF] =	sst s8  }
0x11: {  	[smem:$0x3FB0] =	sst s9;
	s0 =	simm.s32 @!p0 $0x0  }
0x12: {  	s1 =	sld [smem:$0x3F96];
	s0 =	simm.s32 @p0 $0x1  }
0x13: {  	[smem:$0x3FB1] =	sst s0;
	s0 =	simm.s32 @!p1 $0x0  }
0x14: {  	s2 =	sld [smem:$0x3F95];
	s0 =	simm.s32 @p1 $0x1  }
0x15: {  	[smem:$0x3FB2] =	sst s0;
	s0 =	simm.s32 @!p2 $0x0  }
0x16: {  	s3 =	sld [smem:$0x3FDB];
	s0 =	simm.s32 @p2 $0x1  }
0x17: {  	s4 =	simm.s32 $0x1BF5;
	[smem:$0x3FB4] =	sst s0  }
0x18: {  	s0 =	sld [smem:$0x3F97];
	_ =	swait.ge [sflag:s4], $0x0  }
0x19: {  	s7 =	sld [smem:$0x3F98]  }
0x1a: {  	s8 =	sadd.s32 $0xFFFFE003, lr  }
0x1b: {  	s9 =	sadd.s32 $0xFFFFFEF7, lr;
	s5 =	simm.s32 $0xFFFFFFFF;
	p2 =	slt.u32 s8, $0xFFFFF086  }
0x1c: {  	p1 =	slt.u32 s9, $0xF7A;
	s5 =	simm.s32 @!p2 $0x0  }
0x1d: {  	s5 =	simm.s32 @p1 $0x1;
	p0 =	seq.s32 s7, s2  }
0x1e: {  	s7 =	smul.u32 @!p0 $0xF7A, s2;
	p2 =	seq.s32 @!p0 s5, $0x0  }
0x1f: {  	s9 =	smul.u32 $0xF7A, s1;
	s8 =	simm.s32 @!p0 $0x1BF5;
	p2 =	por !p2, p0  }
0x20: {  	[sflag:s8] =	ssyncset.s32 @!p0 $0xFFFFF086;
	s6 =	sadd.s32 @!p0 s3, s7;
	s7 =	simm.s32 @!p0 $0x108  }
0x21: {  	s3 =	sadd.s32 s3, s9;
	s6 =	sadd.s32 @!p0 $0x88, s6;
	s7 =	simm.s32 @p2 $0x1082  }
0x22: {  	[simem:s7], [sflag:s8] =	dma.local @!p0 [hbm:s6], $0xF7A  }
0x23: {  	s9 =	sor.u32 $0xD0000000, s2;
	s6 =	simm.s32 $0x108;
	_ =	swait.ge @!p0 [sflag:s8], $0x0  }
0x24: {  	s3 =	sadd.s32 $0x88, s3;
	s6 =	simm.s32 @!p1 $0x1082;
	[sflag:s4] =	ssyncset.s32 $0xFFFFF086  }
0x25: {  	[simem:s6], [sflag:s4] =	dma.local [hbm:s3], $0xF7A  }
0x26: {  	[smem:$0x3F98] =	sst s1;
	(tag) =	ssettag s2;
	_ =	strace s9  }
0x27: {  	s1 =	sld [smem:$0x3FA8]  }
0x28: {  	s2 =	sld [smem:$0x3FA9]  }
0x29: {  	s4 =	sld [smem:$0x3FAB]  }
0x2a: {  	p0 =	seq.s32 s5, $0x0;
	s5 =	sld [smem:$0x3FAC]  }
0x2b: {  	s6 =	sld [smem:$0x3FAD]  }
0x2c: {  	s7 =	sld [smem:$0x3FAE]  }
0x2d: {  	s3 =	simm.s32 $0x108;
	s8 =	sld [smem:$0x3FAF]  }
0x2e: {  	s3 =	simm.s32 @!p0 $0x1082;
	s9 =	sld [smem:$0x3FB0]  }
0x2f: {  	lr =	sadd.s32 s0, s3;
	s0 =	sld [smem:$0x3FA7]  }
0x30: {  	s3 =	sld [smem:$0x3FAA]  }
0x31: {  	[smem:$0x3FB3] =	sst s10  }
0x32: {  	s10 =	sld [smem:$0x3FB1];
	_ =	sdelay $0x3  }
0x33: {  	p0 =	seq.s32 s10, $0x1;
	s10 =	sld [smem:$0x3FB3];
	_ =	sdelay $0x3  }
0x34: {  	[smem:$0x3FB3] =	sst s10  }
0x35: {  	s10 =	sld [smem:$0x3FB2];
	_ =	sdelay $0x3  }
0x36: {  	p1 =	seq.s32 s10, $0x1;
	s10 =	sld [smem:$0x3FB3];
	_ =	sdelay $0x3  }
0x37: {  	[smem:$0x3FB3] =	sst s10  }
0x38: {  	s10 =	sld [smem:$0x3FB4]  }
0x39: {  	_ = 	snop;
	(pc) =	sbr.ind lr, $3  }
0x3a: {  	_ = 	snop  }
0x3b: {  	_ = 	snop  }
0x3c: {  	p2 =	seq.s32 s10, $0x1;
	s10 =	sld [smem:$0x3FB3]  }
0x3d: {  	_ =	shalt  }
0x3e: {  	_ =	shalt  }
0x3f: {  	_ =	shalt  }
0x40: {  	_ =	shalt  }
0x41: {  	_ =	shalt  }
0x42: {  	_ =	shalt  }
0x43: {  	_ =	shalt  }
0x44: {  	_ =	shalt  }
0x45: {  	_ =	shalt  }
0x46: {  	_ =	shalt  }
0x47: {  	_ =	shalt  }
0x48: {  	_ =	shalt  }
0x49: {  	_ =	shalt  }
0x4a: {  	_ =	shalt  }
0x4b: {  	_ =	shalt  }
0x4c: {  	_ =	shalt  }
0x4d: {  	_ =	shalt  }
0x4e: {  	_ =	shalt  }
0x4f: {  	_ =	shalt  }
0x50: {  	_ =	shalt  }
0x51: {  	_ =	shalt  }
0x52: {  	_ =	shalt  }
0x53: {  	_ =	shalt  }
0x54: {  	_ =	shalt  }
0x55: {  	_ =	shalt  }
0x56: {  	_ =	shalt  }
0x57: {  	_ =	shalt  }
0x58: {  	_ =	shalt  }
0x59: {  	_ =	shalt  }
0x5a: {  	_ =	shalt  }
0x5b: {  	_ =	shalt  }
0x5c: {  	_ =	shalt  }
0x5d: {  	_ =	shalt  }
0x5e: {  	_ =	shalt  }
0x5f: {  	_ =	shalt  }
0x60: {  	_ =	shalt  }
0x61: {  	_ =	shalt  }
0x62: {  	_ =	shalt  }
0x63: {  	_ =	shalt  }
0x64: {  	_ =	shalt  }
0x65: {  	_ =	shalt  }
0x66: {  	_ =	shalt  }
0x67: {  	_ =	shalt  }
0x68: {  	_ =	shalt  }
0x69: {  	_ =	shalt  }
0x6a: {  	_ =	shalt  }
0x6b: {  	_ =	shalt  }
0x6c: {  	_ =	shalt  }
0x6d: {  	_ =	shalt  }
0x6e: {  	_ =	shalt  }
0x6f: {  	_ =	shalt  }
0x70: {  	_ =	shalt  }
0x71: {  	_ =	shalt  }
0x72: {  	_ =	shalt  }
0x73: {  	_ =	shalt  }
0x74: {  	_ =	shalt  }
0x75: {  	_ =	shalt  }
0x76: {  	_ =	shalt  }
0x77: {  	_ =	shalt  }
0x78: {  	_ =	shalt  }
0x79: {  	_ =	shalt  }
0x7a: {  	_ =	shalt  }
0x7b: {  	_ =	shalt  }
0x7c: {  	_ =	shalt  }
0x7d: {  	_ =	shalt  }
0x7e: {  	_ =	shalt  }
0x7f: {  	_ =	shalt  }
0x80: {  	_ =	shalt  }
0x81: {  	_ =	shalt  }
0x82: {  	_ =	shalt  }
0x83: {  	_ =	shalt  }
0x84: {  	_ =	shalt  }
0x85: {  	_ =	shalt  }
0x86: {  	_ =	shalt  }
0x87: {  	_ =	shalt  }
.Lfunc_end0:
.L_simem_size_0:
called_computation.1_lowered:
.L_overlay_start_0:
0x88: {  	s2 =	sld [smem:$0x3FD9]  }
0x89: {  	s3 =	sld [smem:$0x3FFE];
	_ =	sdelay $0x1  }
0x8a: {  	s1 =	srdreg.scid  }
0x8b: {  	s0 =	sand.u32 $0x1, s1  }
0x8c: {  	s16 =	sshll.u32 s0, $0xA;
	s2 =	sadd.s32 s3, s2  }
0x8d: {  	s2 =	sadd.s32 s2, s16  }
0x8e: {  	[smem:$0x3FBF] =	sst s2  }
0x8f: {  	_ = 	snop  }
0x90: {  	(tm) =	ssettm $0x1  }
0x91: {  	s17 =	sld [smem:$0x3FFB];
	_ =	sdelay $0x3  }
0x92: {  	_ =	strace s17  }
0x93: {  	s2 =	sld [smem:$0x3FFC];
	_ =	sdelay $0x3  }
0x94: {  	_ =	strace s2  }
0x95: {  	s2 =	sld [smem:$0x3FFD];
	_ =	sdelay $0x3  }
0x96: {  	_ =	strace s2  }
0x97: {  	_ =	strace $0x8FFFFFFF  }
0x98: {  	s18 =	sld [smem:$0x3FDB];
	_ =	sdelay $0x1  }
0x99: {  	s19 =	simm.s32 $_scs_section_size  }
0x9a: {  	s4 =	simm.s32 $_size__tile_overlayer_lowered;
	s5 =	simm.s32 $_tile_overlayer_lowered  }
0x9b: {  	s22 =	simm.s32 $0x1BFF;
	s21 =	sshll.u32 s5, $0x1;
	s2 =	sadd.s32 s19, s18  }
0x9c: {  	s6 =	simm.s32 $0x0;
	s20 =	sshll.u32 s4, $0x1;
	s4 =	sadd.s32 s21, s2  }
0x9d: {  	[timem:s6], [sflag:s22] =	dma.local [hbm:s4], s20  }
0x9e: {  	_ =	swait.ge [sflag:s22], s20  }
0x9f: {  	s3 =	ssub.s32 $0x0, s20;
	[sflag:s22] =	ssyncset.done $0x0  }
0xa0: {  	[sflag:s22] =	ssyncadd.s32 s3;
	_ =	sdelay $0x1  }
0xa1: {  	s23 =	simm.s32 $0x1B8B  }
0xa2: {  	_ =	swait.ge [sflag:s23], $0x1  }
0xa3: {  	[sflag:s23] =	ssyncset.done $0x0  }
0xa4: {  	s25 =	simm.s32 $0x1B8E;
	s24 =	sld [smem:$0x3FFE];
	[sflag:s23] =	ssyncadd.s32 $0xFFFFFFFF  }
0xa5: {  	s26 =	simm.s32 $execute0_lowered;
	[smem:$0x3FD2] =	sst s25  }
0xa6: {  	s4 =	sshll.u32 s26, $0x1;
	_ =	strace $0x80000049;
	[dreg:$0x1] =	wrdreg $0xFFFFFFFF  }
0xa7: {  	s28 =	simm.s32 $_size_execute0_lowered;
	s2 =	sadd.s32 s2, s4;
	[dreg:$0x0] =	wrdreg $0x0  }
0xa8: {  	s4 =	sshll.u32 s28, $0x1;
	[dreg:$0x2] =	wrdreg s2  }
0xa9: {  	[dreg:$0x3] =	wrdreg s4  }
0xaa: {  	[dreg:$0x4] =	wrdreg $0xC0  }
0xab: {  	_ =	task [dreg:s6], $0x5FFFF  }
0xac: {  	[dreg:$0x1] =	wrdreg $0xFFFFFFFF  }
0xad: {  	[dreg:$0x0] =	wrdreg $0x60  }
0xae: {  	[dreg:$0x2] =	wrdreg s24  }
0xaf: {  	[dreg:$0x3] =	wrdreg $0x90000  }
0xb0: {  	[dreg:$0x4] =	wrdreg $0x9  }
0xb1: {  	_ =	task.clear_ibuf [dreg:s6], $0x5FFFF;
	_ =	strace $0x90000049  }
0xb2: {  	s29 =	simm.s32 $0x9;
	_ =	strace $0x8000004B  }
0xb3: {  	_ =	swait.ge [sflag:s29], $0x1  }
0xb4: {  	[sflag:s29] =	ssyncadd.s32 $0xFFFFFFFF  }
0xb5: {  	_ =	strace $0x9000004B  }
0xb6: {  	_ =	sfence  }
0xb7: {  	s30 =	sld [smem:$0x0];
	_ =	sdelay $0x2  }
0xb8: {  	s31 =	sshll.u32 s1, $0xD;
	s1 =	sshrl.u32 s1, $0x2  }
0xb9: {  	s3 =	sand.u32 $0x4000, s31;
	s1 =	sadd.s32 s1, s30  }
0xba: {  	s0 =	sor.u32 s3, s0;
	s1 =	sshll.u32 s1, $0x11  }
0xbb: {  	s0 =	sor.u32 s1, s0  }
0xbc: {  	s0 =	sadd.s32 $0x8F2B, s0  }
0xbd: {  	[sflag:s0] =	ssyncadd.remote.s32 $0x1  }
0xbe: {  	_ =	sfence.sel $0xFFFF  }
0xbf: {  	[dreg:$0x0] =	wrdreg $0xFFFFFFFF;
	(pc) =	sbr.abs _section_cstart, $3  }
0xc0: {  	[dreg:$0x1] =	wrdreg $0xFFFFFFFF  }
0xc1: {  	_ =	task.clear_ibuf [dreg:s6], $0x2FFFF;
	_ =	strace $0x9FFFFFFF  }
0xc2: {  	(tm) =	ssettm $0x7FFFFFFF  }
0xc3: {  	_ =	shalt  }
tec
execute0_lowered:
.L_overlay_start_1:
0x0: {  	(tag) =	ssettag $0x1  }
0x1: {  	s9 =	rddreg [dreg:$0x0]  }
0x2: {  	s0 =	srdreg.scid;
	s2 =	rddreg [dreg:$0x1]  }
0x3: {  	s3 =	simm.s32 $0x0;
	s13 =	simm.s32 $0x94600;
	s15 =	simm.s32 $0x5000  }
0x4: {  	s16 =	simm.s32 $0x1;
	s17 =	simm.s32 $0x0;
	s6 =	sand.u32 $0x1, s0  }
0x5: {  	s0 =	stileid.u32;
	[smem:$0x7FF] =	sst s3;
	s1 =	sshll.u32 s6, $0x4  }
0x6: {  	s7 =	smul.u32 $0x50000, s0;
	s8 =	ssub.s32 $0x2, s6;
	s30 =	sshll.u32 s0, $0x6  }
0x7: {  	p0 =	seq.s32 s6, $0x1;
	s14 =	smul.u32 $0x2800, s0;
	s4 =	sor.u32 s0, s1  }
0x8: {  	s1 =	rddreg [dreg:$0x2];
	_ =	strace $0x8000004A;
	s11 =	sshrl.u32 s8, $0x1  }
0x9: {  	s6 =	sor.u32 $0x1C02, s30;
	s13 =	simm.s32 @!p0 $0x6C600;
	s5 =	smul.u32 $0x500, s4  }
0xa: {  	s4 =	sadd.s32 $0x1C600, s9;
	s7 =	sshrl.u32 s7, $0x2;
	s11 =	ssub.s32 s8, s11  }
0xb: {  	s31 =	sadd.s32 s13, s9;
	s13 =	simm.s32 $0x2800;
	s12 =	sadd.s32 s7, s2  }
0xc: {  	s10 =	sadd.s32 s5, s9;
	s5 =	sadd.s32 $0x19E00, s9;
	s9 =	smax.u32 s11, $0x1  }
0xd: {  	s11 =	sshrl.u32 s12, $0x3;
	s12 =	simm.s32 $0x2;
	s7 =	sadd.s32 $0x5E00, s10  }
0xe: {  	s8 =	sadd.s32 $0xFE00, s10;
	s10 =	sadd.s32 s31, s14;
	s14 =	simm.s32 $0x80  }
.LBB2_1:
0xf: {  	[spmem:s11], [sflag:s6] =	dma.local [hbm:s5], $0x2800  }
0x10: {  	_ =	swait.ge [sflag:s12], $0x2800  }
0x11: {  	[sflag:s12] =	ssyncset.done $0x0  }
0x12: {  	[sflag:s12] =	ssyncadd.s32 $0xFFFFD800  }
0x13: {  	[tilespmem:s3], [sflag:$0x2] =	stream.linear.gather [hbm4b:s7+s3], $0x2780, $0x38;
	[tilespmem:$0x1D000] =	vst v63  }
0x14: {  	_ =	swait.ge [sflag:s12], $0x2780  }
0x15: {  	[sflag:s12] =	ssyncset.done $0x0  }
0x16: {  	[sflag:s12] =	ssyncadd.s32 $0xFFFFD880  }
0x17: {  	[tilespmem:s13], [sflag:$0x2] =	stream.linear.gather [hbm4b:s8+s3], $0x2780, $0x38;
	[tilespmem:$0x1D000] =	vst v63  }
0x18: {  	_ =	swait.ge [sflag:s12], $0x2780  }
0x19: {  	[sflag:s12] =	ssyncset.done $0x0  }
0x1a: {  	[sflag:s12] =	ssyncadd.s32 $0xFFFFD880  }
0x1b: {  	s18 =	simm.s32 $0x0;
	[bflag:$0x0] =	sbarrier.arrive $0xFFFF  }
0x1c: {  	[tilespmem:s15], [sflag:$0x1] =	stream.indirect.gather [hbm4b:s4+s14], $0x80, s18, s14, $0xb8;
	[tilespmem:$0x1D000] =	vst v63  }
0x1d: {  	_ =	swait.ge [sflag:s16], $0x4000  }
0x1e: {  	[sflag:s16] =	ssyncset.done $0x0  }
0x1f: {  	s31 =	simm.s32 $0x2800;
	[sflag:s16] =	ssyncadd.s32 $0xFFFFC000  }
0x20: {  	[spmem:s2] =	stream.indirect.scatter.add.f32 [tilespmem:s15], [sflag:$0x2], $0x80, s31, s14, $0xb8;
	[tilespmem:$0x1D000] =	vst v63  }
0x21: {  	_ =	swait.ge [sflag:s12], $0x4000  }
0x22: {  	s19 =	simm.s32 $0x400;
	s18 =	simm.s32 $0x200;
	[sflag:s12] =	ssyncset.done $0x0  }
.LBB2_2:
0x23: {  	s20 =	sshra.s32 s18, $0x2  }
0x24: {  	[sflag:s12] =	ssyncadd.s32 $0xFFFFC000;
	s18 =	smov.u32 s19;
	s21 =	sadd.s32 $0x200, s19  }
0x25: {  	[tilespmem:s15], [sflag:$0x1] =	stream.indirect.gather [hbm4b:s4+s14], $0x80, s20, s14, $0xb8;
	[tilespmem:$0x1D000] =	vst v63  }
0x26: {  	p0 =	sne.s32 s19, $0x9C00;
	_ =	swait.ge [sflag:s16], $0x4000  }
.Ltmp0:
0x27: {  	[sflag:s16] =	ssyncset.done $0x0;
	(pc) =	sbr.rel @p0 .LBB2_2-.Ltmp0, $4  }
0x28: {  	s19 =	sadd.s32 $0x2800, s20;
	[sflag:s16] =	ssyncadd.s32 $0xFFFFC000  }
0x29: {  	[spmem:s2] =	stream.indirect.scatter.add.f32 [tilespmem:s15], [sflag:$0x2], $0x80, s19, s14, $0xb8;
	[tilespmem:$0x1D000] =	vst v63  }
0x2a: {  	_ =	swait.ge [sflag:s12], $0x4000  }
0x2b: {  	s19 =	smov.u32 s21;
	[sflag:s12] =	ssyncset.done $0x0  }
0x2c: {  	s18 =	sshra.s32 s18, $0x2;
	[sflag:s12] =	ssyncadd.s32 $0xFFFFC000  }
0x2d: {  	[tilespmem:s15], [sflag:$0x1] =	stream.indirect.gather [hbm4b:s4+s14], $0x80, s18, s14, $0xb8;
	[tilespmem:$0x1D000] =	vst v63  }
0x2e: {  	_ =	swait.ge [sflag:s16], $0x4000  }
0x2f: {  	[sflag:s16] =	ssyncset.done $0x0  }
0x30: {  	s18 =	sadd.s32 $0x2800, s18;
	[sflag:s16] =	ssyncadd.s32 $0xFFFFC000  }
0x31: {  	[spmem:s2] =	stream.indirect.scatter.add.f32 [tilespmem:s15], [sflag:$0x2], $0x80, s18, s14, $0xb8;
	[tilespmem:$0x1D000] =	vst v63  }
0x32: {  	_ =	swait.ge [sflag:s12], $0x4000  }
0x33: {  	s17 =	sadd.s32 $0x1, s17;
	[sflag:s12] =	ssyncset.done $0x0  }
0x34: {  	p0 =	sne.s32 s17, s9;
	[sflag:s12] =	ssyncadd.s32 $0xFFFFC000  }
.Ltmp1:
0x35: {  	[bflag:$0x0] =	sbarrier.arrive $0xFFFF;
	(pc) =	sbr.rel @p0 .LBB2_1-.Ltmp1, $4  }
0x36: {  	[hbm:s10], [sflag:s6] =	dma.local [spmem:s11], $0x2800  }
0x37: {  	_ =	swait.ge [sflag:s12], $0x2800  }
0x38: {  	[sflag:s12] =	ssyncset.done $0x0  }
0x39: {  	[sflag:s12] =	ssyncadd.s32 $0xFFFFD800  }
0x3a: {  	_ =	sfence.sel $0x180000  }
0x3b: {  	[bflag:$0x0] =	sbarrier.arrive $0xFFFF  }
0x3c: {  	p0 =	sne.s32 s0, $0x0;
	_ =	strace $0x9000004A  }
0x3d: {  	s0 =	sadd.s32 @!p0 $0x100000, s1;
	[bflag:$0x2] =	sbarrier.arrive $0xFFFF  }
0x3e: {  	[sflag:s0] =	ssyncadd.tile.s32 @!p0 $0x1;
	_ =	shalt  }
.Lfunc_end2:
_tile_overlayer_lowered:
.L_overlay_start_2:
0x3f: {  	(tag) =	ssettag $0x2  }
0x40: {  	s0 =	rddreg [dreg:$0x0];
	s2 =	stileid.u32  }
0x41: {  	s1 =	rddreg [dreg:$0x1];
	p0 =	sne.s32 s2, $0x0  }
0x42: {  	s3 =	rddreg [dreg:$0x2];
	[bflag:$0x3] =	sbarrier.arrive $0xFFFF;
	s2 =	simm.s32 @!p0 $0x1C02  }
0x43: {  	[timem:s3], [sflag:s2] =	dma.local @!p0 [hbm:s0], s1  }
0x44: {  	s0 =	simm.s32 @!p0 $0x2  }
0x45: {  	_ =	swait.ge @!p0 [sflag:s0], s1  }
0x46: {  	s1 =	ssub.s32 @!p0 $0x0, s1;
	[sflag:s0] =	ssyncset.done @!p0 $0x0  }
0x47: {  	[sflag:s0] =	ssyncadd.s32 @!p0 s1  }
0x48: {  	[bflag:$0x3] =	sbarrier.arrive $0xFFFF  }
0x49: {  	_ =	shalt  }

// kernel: kernel.17.cloned.1.call-start
scs
__scs_entry_jumppad:
0x0: {  	(pc) =	sbr.rel $0x88, $3  }
0x1: {  	(tag) =	ssettag $0x0;
	lr =	simm.s32 $0x1  }
0x2: {  	[smem:$0x3F98] =	sst lr;
	_ =	strace $0xD0000000  }
0x3: {  	_ = 	snop  }
0x4: {  	_ = 	snop  }
0x5: {  	_ = 	snop  }
0x6: {  	_ = 	snop  }
0x7: {  	_ = 	snop  }
__scs_overlays_trampoline_lowered:
0x8: {  	[smem:$0x3FA7] =	sst s0  }
0x9: {  	[smem:$0x3FA8] =	sst s1  }
0xa: {  	[smem:$0x3FA9] =	sst s2  }
0xb: {  	[smem:$0x3FAA] =	sst s3  }
0xc: {  	[smem:$0x3FAB] =	sst s4  }
0xd: {  	[smem:$0x3FAC] =	sst s5  }
0xe: {  	[smem:$0x3FAD] =	sst s6  }
0xf: {  	[smem:$0x3FAE] =	sst s7  }
0x10: {  	[smem:$0x3FAF] =	sst s8  }
0x11: {  	[smem:$0x3FB0] =	sst s9;
	s0 =	simm.s32 @!p0 $0x0  }
0x12: {  	s1 =	sld [smem:$0x3F96];
	s0 =	simm.s32 @p0 $0x1  }
0x13: {  	[smem:$0x3FB1] =	sst s0;
	s0 =	simm.s32 @!p1 $0x0  }
0x14: {  	s2 =	sld [smem:$0x3F95];
	s0 =	simm.s32 @p1 $0x1  }
0x15: {  	[smem:$0x3FB2] =	sst s0;
	s0 =	simm.s32 @!p2 $0x0  }
0x16: {  	s3 =	sld [smem:$0x3FDB];
	s0 =	simm.s32 @p2 $0x1  }
0x17: {  	s4 =	simm.s32 $0x1BF5;
	[smem:$0x3FB4] =	sst s0  }
0x18: {  	s0 =	sld [smem:$0x3F97];
	_ =	swait.ge [sflag:s4], $0x0  }
0x19: {  	s7 =	sld [smem:$0x3F98]  }
0x1a: {  	s8 =	sadd.s32 $0xFFFFE003, lr  }
0x1b: {  	s9 =	sadd.s32 $0xFFFFFEF7, lr;
	s5 =	simm.s32 $0xFFFFFFFF;
	p2 =	slt.u32 s8, $0xFFFFF086  }
0x1c: {  	p1 =	slt.u32 s9, $0xF7A;
	s5 =	simm.s32 @!p2 $0x0  }
0x1d: {  	s5 =	simm.s32 @p1 $0x1;
	p0 =	seq.s32 s7, s2  }
0x1e: {  	s7 =	smul.u32 @!p0 $0xF7A, s2;
	p2 =	seq.s32 @!p0 s5, $0x0  }
0x1f: {  	s9 =	smul.u32 $0xF7A, s1;
	s8 =	simm.s32 @!p0 $0x1BF5;
	p2 =	por !p2, p0  }
0x20: {  	[sflag:s8] =	ssyncset.s32 @!p0 $0xFFFFF086;
	s6 =	sadd.s32 @!p0 s3, s7;
	s7 =	simm.s32 @!p0 $0x108  }
0x21: {  	s3 =	sadd.s32 s3, s9;
	s6 =	sadd.s32 @!p0 $0x88, s6;
	s7 =	simm.s32 @p2 $0x1082  }
0x22: {  	[simem:s7], [sflag:s8] =	dma.local @!p0 [hbm:s6], $0xF7A  }
0x23: {  	s9 =	sor.u32 $0xD0000000, s2;
	s6 =	simm.s32 $0x108;
	_ =	swait.ge @!p0 [sflag:s8], $0x0  }
0x24: {  	s3 =	sadd.s32 $0x88, s3;
	s6 =	simm.s32 @!p1 $0x1082;
	[sflag:s4] =	ssyncset.s32 $0xFFFFF086  }
0x25: {  	[simem:s6], [sflag:s4] =	dma.local [hbm:s3], $0xF7A  }
0x26: {  	[smem:$0x3F98] =	sst s1;
	(tag) =	ssettag s2;
	_ =	strace s9  }
0x27: {  	s1 =	sld [smem:$0x3FA8]  }
0x28: {  	s2 =	sld [smem:$0x3FA9]  }
0x29: {  	s4 =	sld [smem:$0x3FAB]  }
0x2a: {  	p0 =	seq.s32 s5, $0x0;
	s5 =	sld [smem:$0x3FAC]  }
0x2b: {  	s6 =	sld [smem:$0x3FAD]  }
0x2c: {  	s7 =	sld [smem:$0x3FAE]  }
0x2d: {  	s3 =	simm.s32 $0x108;
	s8 =	sld [smem:$0x3FAF]  }
0x2e: {  	s3 =	simm.s32 @!p0 $0x1082;
	s9 =	sld [smem:$0x3FB0]  }
0x2f: {  	lr =	sadd.s32 s0, s3;
	s0 =	sld [smem:$0x3FA7]  }
0x30: {  	s3 =	sld [smem:$0x3FAA]  }
0x31: {  	[smem:$0x3FB3] =	sst s10  }
0x32: {  	s10 =	sld [smem:$0x3FB1];
	_ =	sdelay $0x3  }
0x33: {  	p0 =	seq.s32 s10, $0x1;
	s10 =	sld [smem:$0x3FB3];
	_ =	sdelay $0x3  }
0x34: {  	[smem:$0x3FB3] =	sst s10  }
0x35: {  	s10 =	sld [smem:$0x3FB2];
	_ =	sdelay $0x3  }
0x36: {  	p1 =	seq.s32 s10, $0x1;
	s10 =	sld [smem:$0x3FB3];
	_ =	sdelay $0x3  }
0x37: {  	[smem:$0x3FB3] =	sst s10  }
0x38: {  	s10 =	sld [smem:$0x3FB4]  }
0x39: {  	_ = 	snop;
	(pc) =	sbr.ind lr, $3  }
0x3a: {  	_ = 	snop  }
0x3b: {  	_ = 	snop  }
0x3c: {  	p2 =	seq.s32 s10, $0x1;
	s10 =	sld [smem:$0x3FB3]  }
0x3d: {  	_ =	shalt  }
0x3e: {  	_ =	shalt  }
0x3f: {  	_ =	shalt  }
0x40: {  	_ =	shalt  }
0x41: {  	_ =	shalt  }
0x42: {  	_ =	shalt  }
0x43: {  	_ =	shalt  }
0x44: {  	_ =	shalt  }
0x45: {  	_ =	shalt  }
0x46: {  	_ =	shalt  }
0x47: {  	_ =	shalt  }
0x48: {  	_ =	shalt  }
0x49: {  	_ =	shalt  }
0x4a: {  	_ =	shalt  }
0x4b: {  	_ =	shalt  }
0x4c: {  	_ =	shalt  }
0x4d: {  	_ =	shalt  }
0x4e: {  	_ =	shalt  }
0x4f: {  	_ =	shalt  }
0x50: {  	_ =	shalt  }
0x51: {  	_ =	shalt  }
0x52: {  	_ =	shalt  }
0x53: {  	_ =	shalt  }
0x54: {  	_ =	shalt  }
0x55: {  	_ =	shalt  }
0x56: {  	_ =	shalt  }
0x57: {  	_ =	shalt  }
0x58: {  	_ =	shalt  }
0x59: {  	_ =	shalt  }
0x5a: {  	_ =	shalt  }
0x5b: {  	_ =	shalt  }
0x5c: {  	_ =	shalt  }
0x5d: {  	_ =	shalt  }
0x5e: {  	_ =	shalt  }
0x5f: {  	_ =	shalt  }
0x60: {  	_ =	shalt  }
0x61: {  	_ =	shalt  }
0x62: {  	_ =	shalt  }
0x63: {  	_ =	shalt  }
0x64: {  	_ =	shalt  }
0x65: {  	_ =	shalt  }
0x66: {  	_ =	shalt  }
0x67: {  	_ =	shalt  }
0x68: {  	_ =	shalt  }
0x69: {  	_ =	shalt  }
0x6a: {  	_ =	shalt  }
0x6b: {  	_ =	shalt  }
0x6c: {  	_ =	shalt  }
0x6d: {  	_ =	shalt  }
0x6e: {  	_ =	shalt  }
0x6f: {  	_ =	shalt  }
0x70: {  	_ =	shalt  }
0x71: {  	_ =	shalt  }
0x72: {  	_ =	shalt  }
0x73: {  	_ =	shalt  }
0x74: {  	_ =	shalt  }
0x75: {  	_ =	shalt  }
0x76: {  	_ =	shalt  }
0x77: {  	_ =	shalt  }
0x78: {  	_ =	shalt  }
0x79: {  	_ =	shalt  }
0x7a: {  	_ =	shalt  }
0x7b: {  	_ =	shalt  }
0x7c: {  	_ =	shalt  }
0x7d: {  	_ =	shalt  }
0x7e: {  	_ =	shalt  }
0x7f: {  	_ =	shalt  }
0x80: {  	_ =	shalt  }
0x81: {  	_ =	shalt  }
0x82: {  	_ =	shalt  }
0x83: {  	_ =	shalt  }
0x84: {  	_ =	shalt  }
0x85: {  	_ =	shalt  }
0x86: {  	_ =	shalt  }
0x87: {  	_ =	shalt  }
.Lfunc_end0:
.L_simem_size_0:
called_computation.2_lowered:
.L_overlay_start_0:
0x88: {  	s2 =	sld [smem:$0x3FD9]  }
0x89: {  	s3 =	sld [smem:$0x3FFE];
	_ =	sdelay $0x1  }
0x8a: {  	s1 =	srdreg.scid  }
0x8b: {  	s0 =	sand.u32 $0x1, s1  }
0x8c: {  	s17 =	sshll.u32 s0, $0xA;
	s2 =	sadd.s32 s3, s2  }
0x8d: {  	s2 =	sadd.s32 s2, s17  }
0x8e: {  	[smem:$0x3FBF] =	sst s2  }
0x8f: {  	_ = 	snop  }
0x90: {  	(tm) =	ssettm $0x1  }
0x91: {  	s18 =	sld [smem:$0x3FFB];
	_ =	sdelay $0x3  }
0x92: {  	_ =	strace s18  }
0x93: {  	s2 =	sld [smem:$0x3FFC];
	_ =	sdelay $0x3  }
0x94: {  	_ =	strace s2  }
0x95: {  	s2 =	sld [smem:$0x3FFD];
	_ =	sdelay $0x3  }
0x96: {  	_ =	strace s2  }
0x97: {  	_ =	strace $0x8FFFFFFF  }
0x98: {  	s19 =	sld [smem:$0x3FDB];
	_ =	sdelay $0x1  }
0x99: {  	s20 =	simm.s32 $_scs_section_size  }
0x9a: {  	s4 =	simm.s32 $_size__tile_overlayer_lowered;
	s5 =	simm.s32 $_tile_overlayer_lowered  }
0x9b: {  	s6 =	simm.s32 $0x1BFF;
	s21 =	sshll.u32 s5, $0x1;
	s3 =	sadd.s32 s20, s19  }
0x9c: {  	s22 =	simm.s32 $0x0;
	s4 =	sshll.u32 s4, $0x1;
	s5 =	sadd.s32 s21, s3  }
0x9d: {  	[timem:s22], [sflag:s6] =	dma.local [hbm:s5], s4  }
0x9e: {  	_ =	swait.ge [sflag:s6], s4  }
0x9f: {  	s4 =	ssub.s32 $0x0, s4;
	[sflag:s6] =	ssyncset.done $0x0  }
0xa0: {  	[sflag:s6] =	ssyncadd.s32 s4;
	_ =	sdelay $0x1  }
0xa1: {  	s23 =	simm.s32 $0x1B8B  }
0xa2: {  	_ =	swait.ge [sflag:s23], $0x1  }
0xa3: {  	[sflag:s23] =	ssyncset.done $0x0  }
0xa4: {  	[sflag:s23] =	ssyncadd.s32 $0xFFFFFFFF  }
0xa5: {  	s4 =	sld [smem:$0x0]  }
0xa6: {  	s5 =	sand.u32 $0xFFFFFFFE, s1  }
0xa7: {  	p0 =	sne.s32 s1, s5  }
0xa8: {  	s5 =	sshll.u32 @p0 s5, $0xE  }
0xa9: {  	s5 =	sadd.s32 @p0 $0x11B8D, s5;
	s6 =	sshll.u32 @p0 s4, $0x11  }
0xaa: {  	s5 =	sor.u32 @p0 s6, s5  }
0xab: {  	[sflag:s5] =	ssyncadd.remote.s32 @p0 $0x1;
	_ =	sdelay $0x1  }
0xac: {  	s5 =	simm.s32 @p0 $0x1B8D  }
0xad: {  	_ =	swait.eq @p0 [sflag:s5], $0x1  }
0xae: {  	[sflag:s5] =	ssyncadd.s32 @p0 $0xFFFFFFFF  }
0xaf: {  	s6 =	sshll.u32 @!p0 s1, $0xE  }
0xb0: {  	s6 =	sor.u32 @!p0 $0x4000, s6;
	s5 =	simm.s32 @!p0 $0x1B8D  }
0xb1: {  	s4 =	sshll.u32 @!p0 s4, $0x11;
	s6 =	sadd.s32 @!p0 $0x11B8D, s6;
	_ =	swait.eq @!p0 [sflag:s5], $0x1  }
0xb2: {  	s4 =	sor.u32 @!p0 s4, s6;
	[sflag:s5] =	ssyncadd.s32 @!p0 $0xFFFFFFFF  }
0xb3: {  	s25 =	simm.s32 $0x1B8E;
	s24 =	sld [smem:$0x3FFE];
	[sflag:s4] =	ssyncadd.remote.s32 @!p0 $0x1  }
0xb4: {  	s26 =	simm.s32 $execute0_lowered;
	[smem:$0x3FD2] =	sst s25  }
0xb5: {  	s5 =	sshll.u32 s26, $0x1;
	_ =	strace $0x8000004F;
	[dreg:$0x1] =	wrdreg $0xFFFFFFFF  }
0xb6: {  	s28 =	simm.s32 $_size_execute0_lowered;
	s3 =	sadd.s32 s3, s5;
	[dreg:$0x0] =	wrdreg $0x0  }
0xb7: {  	s5 =	sshll.u32 s28, $0x1;
	[dreg:$0x2] =	wrdreg s3  }
0xb8: {  	[dreg:$0x3] =	wrdreg s5  }
0xb9: {  	[dreg:$0x4] =	wrdreg $0xC0  }
0xba: {  	_ =	task [dreg:s22], $0x5FFFF  }
0xbb: {  	[dreg:$0x1] =	wrdreg $0xFFFFFFFF  }
0xbc: {  	[dreg:$0x0] =	wrdreg $0x60  }
0xbd: {  	[dreg:$0x2] =	wrdreg s24  }
0xbe: {  	[dreg:$0x3] =	wrdreg $0x90000  }
0xbf: {  	[dreg:$0x4] =	wrdreg $0x9  }
0xc0: {  	_ =	task.clear_ibuf [dreg:s22], $0x5FFFF;
	_ =	strace $0x9000004F  }
0xc1: {  	s29 =	simm.s32 $0x9;
	_ =	strace $0x80000051  }
0xc2: {  	_ =	swait.ge [sflag:s29], $0x1  }
0xc3: {  	[sflag:s29] =	ssyncadd.s32 $0xFFFFFFFF  }
0xc4: {  	_ =	strace $0x90000051  }
0xc5: {  	_ =	sfence  }
0xc6: {  	s30 =	sld [smem:$0x0];
	_ =	sdelay $0x2  }
0xc7: {  	s31 =	sshll.u32 s1, $0xD;
	s1 =	sshrl.u32 s1, $0x2  }
0xc8: {  	s4 =	sand.u32 $0x4000, s31;
	s1 =	sadd.s32 s1, s30  }
0xc9: {  	s0 =	sor.u32 s4, s0;
	s1 =	sshll.u32 s1, $0x11  }
0xca: {  	s0 =	sor.u32 s1, s0  }
0xcb: {  	s0 =	sadd.s32 $0x8F2B, s0  }
0xcc: {  	[sflag:s0] =	ssyncadd.remote.s32 $0x1  }
0xcd: {  	_ =	sfence.sel $0xFFFF  }
0xce: {  	[dreg:$0x0] =	wrdreg $0xFFFFFFFF;
	(pc) =	sbr.abs _section_cstart, $3  }
0xcf: {  	[dreg:$0x1] =	wrdreg $0xFFFFFFFF  }
0xd0: {  	_ =	task.clear_ibuf [dreg:s22], $0x2FFFF;
	_ =	strace $0x9FFFFFFF  }
0xd1: {  	(tm) =	ssettm $0x7FFFFFFF  }
tec
execute0_lowered:
.L_overlay_start_1:
0x0: {  	(tag) =	ssettag $0x1  }
0x1: {  	s9 =	rddreg [dreg:$0x0]  }
0x2: {  	s0 =	srdreg.scid;
	s2 =	rddreg [dreg:$0x1]  }
0x3: {  	s3 =	simm.s32 $0x0;
	s13 =	simm.s32 $0x10C600;
	s15 =	simm.s32 $0x5000  }
0x4: {  	s16 =	simm.s32 $0x1;
	s17 =	simm.s32 $0x0;
	s6 =	sand.u32 $0x1, s0  }
0x5: {  	s0 =	stileid.u32;
	[smem:$0x7FF] =	sst s3;
	s1 =	sshll.u32 s6, $0x4  }
0x6: {  	s7 =	smul.u32 $0x50000, s0;
	s8 =	ssub.s32 $0x2, s6;
	s30 =	sshll.u32 s0, $0x6  }
0x7: {  	p0 =	seq.s32 s6, $0x1;
	s14 =	smul.u32 $0x2800, s0;
	s4 =	sor.u32 s0, s1  }
0x8: {  	s1 =	rddreg [dreg:$0x2];
	_ =	strace $0x80000050;
	s11 =	sshrl.u32 s8, $0x1  }
0x9: {  	s6 =	sor.u32 $0x1C02, s30;
	s13 =	simm.s32 @!p0 $0xE4600;
	s5 =	smul.u32 $0x500, s4  }
0xa: {  	s4 =	sadd.s32 $0x6C600, s9;
	s7 =	sshrl.u32 s7, $0x2;
	s11 =	ssub.s32 s8, s11  }
0xb: {  	s31 =	sadd.s32 s13, s9;
	s13 =	simm.s32 $0x2800;
	s12 =	sadd.s32 s7, s2  }
0xc: {  	s10 =	sadd.s32 s5, s9;
	s5 =	sadd.s32 $0x19E00, s9;
	s9 =	smax.u32 s11, $0x1  }
0xd: {  	s11 =	sshrl.u32 s12, $0x3;
	s12 =	simm.s32 $0x2;
	s7 =	sadd.s32 $0x5E00, s10  }
0xe: {  	s8 =	sadd.s32 $0xFE00, s10;
	s10 =	sadd.s32 s31, s14;
	s14 =	simm.s32 $0x80  }
.LBB2_1:
0xf: {  	[spmem:s11], [sflag:s6] =	dma.local [hbm:s5], $0x2800  }
0x10: {  	_ =	swait.ge [sflag:s12], $0x2800  }
0x11: {  	[sflag:s12] =	ssyncset.done $0x0  }
0x12: {  	[sflag:s12] =	ssyncadd.s32 $0xFFFFD800  }
0x13: {  	[tilespmem:s3], [sflag:$0x2] =	stream.linear.gather [hbm4b:s7+s3], $0x2780, $0x38;
	[tilespmem:$0x1D000] =	vst v63  }
0x14: {  	_ =	swait.ge [sflag:s12], $0x2780  }
0x15: {  	[sflag:s12] =	ssyncset.done $0x0  }
0x16: {  	[sflag:s12] =	ssyncadd.s32 $0xFFFFD880  }
0x17: {  	[tilespmem:s13], [sflag:$0x2] =	stream.linear.gather [hbm4b:s8+s3], $0x2780, $0x38;
	[tilespmem:$0x1D000] =	vst v63  }
0x18: {  	_ =	swait.ge [sflag:s12], $0x2780  }
0x19: {  	[sflag:s12] =	ssyncset.done $0x0  }
0x1a: {  	[sflag:s12] =	ssyncadd.s32 $0xFFFFD880  }
0x1b: {  	s18 =	simm.s32 $0x0;
	[bflag:$0x0] =	sbarrier.arrive $0xFFFF  }
0x1c: {  	[tilespmem:s15], [sflag:$0x1] =	stream.indirect.gather [hbm4b:s4+s14], $0x80, s18, s14, $0xb8;
	[tilespmem:$0x1D000] =	vst v63  }
0x1d: {  	_ =	swait.ge [sflag:s16], $0x4000  }
0x1e: {  	[sflag:s16] =	ssyncset.done $0x0  }
0x1f: {  	s31 =	simm.s32 $0x2800;
	[sflag:s16] =	ssyncadd.s32 $0xFFFFC000  }
0x20: {  	[spmem:s2] =	stream.indirect.scatter.add.f32 [tilespmem:s15], [sflag:$0x2], $0x80, s31, s14, $0xb8;
	[tilespmem:$0x1D000] =	vst v63  }
0x21: {  	_ =	swait.ge [sflag:s12], $0x4000  }
0x22: {  	s19 =	simm.s32 $0x400;
	s18 =	simm.s32 $0x200;
	[sflag:s12] =	ssyncset.done $0x0  }
.LBB2_2:
0x23: {  	s20 =	sshra.s32 s18, $0x2  }
0x24: {  	[sflag:s12] =	ssyncadd.s32 $0xFFFFC000;
	s18 =	smov.u32 s19;
	s21 =	sadd.s32 $0x200, s19  }
0x25: {  	[tilespmem:s15], [sflag:$0x1] =	stream.indirect.gather [hbm4b:s4+s14], $0x80, s20, s14, $0xb8;
	[tilespmem:$0x1D000] =	vst v63  }
0x26: {  	p0 =	sne.s32 s19, $0x9C00;
	_ =	swait.ge [sflag:s16], $0x4000  }
.Ltmp0:
0x27: {  	[sflag:s16] =	ssyncset.done $0x0;
	(pc) =	sbr.rel @p0 .LBB2_2-.Ltmp0, $4  }
0x28: {  	s19 =	sadd.s32 $0x2800, s20;
	[sflag:s16] =	ssyncadd.s32 $0xFFFFC000  }
0x29: {  	[spmem:s2] =	stream.indirect.scatter.add.f32 [tilespmem:s15], [sflag:$0x2], $0x80, s19, s14, $0xb8;
	[tilespmem:$0x1D000] =	vst v63  }
0x2a: {  	_ =	swait.ge [sflag:s12], $0x4000  }
0x2b: {  	s19 =	smov.u32 s21;
	[sflag:s12] =	ssyncset.done $0x0  }
0x2c: {  	s18 =	sshra.s32 s18, $0x2;
	[sflag:s12] =	ssyncadd.s32 $0xFFFFC000  }
0x2d: {  	[tilespmem:s15], [sflag:$0x1] =	stream.indirect.gather [hbm4b:s4+s14], $0x80, s18, s14, $0xb8;
	[tilespmem:$0x1D000] =	vst v63  }
0x2e: {  	_ =	swait.ge [sflag:s16], $0x4000  }
0x2f: {  	[sflag:s16] =	ssyncset.done $0x0  }
0x30: {  	s18 =	sadd.s32 $0x2800, s18;
	[sflag:s16] =	ssyncadd.s32 $0xFFFFC000  }
0x31: {  	[spmem:s2] =	stream.indirect.scatter.add.f32 [tilespmem:s15], [sflag:$0x2], $0x80, s18, s14, $0xb8;
	[tilespmem:$0x1D000] =	vst v63  }
0x32: {  	_ =	swait.ge [sflag:s12], $0x4000  }
0x33: {  	s17 =	sadd.s32 $0x1, s17;
	[sflag:s12] =	ssyncset.done $0x0  }
0x34: {  	p0 =	sne.s32 s17, s9;
	[sflag:s12] =	ssyncadd.s32 $0xFFFFC000  }
.Ltmp1:
0x35: {  	[bflag:$0x0] =	sbarrier.arrive $0xFFFF;
	(pc) =	sbr.rel @p0 .LBB2_1-.Ltmp1, $4  }
0x36: {  	[hbm:s10], [sflag:s6] =	dma.local [spmem:s11], $0x2800  }
0x37: {  	_ =	swait.ge [sflag:s12], $0x2800  }
0x38: {  	[sflag:s12] =	ssyncset.done $0x0  }
0x39: {  	[sflag:s12] =	ssyncadd.s32 $0xFFFFD800  }
0x3a: {  	_ =	sfence.sel $0x180000  }
0x3b: {  	[bflag:$0x0] =	sbarrier.arrive $0xFFFF  }
0x3c: {  	p0 =	sne.s32 s0, $0x0;
	_ =	strace $0x90000050  }
0x3d: {  	s0 =	sadd.s32 @!p0 $0x100000, s1;
	[bflag:$0x2] =	sbarrier.arrive $0xFFFF  }
0x3e: {  	[sflag:s0] =	ssyncadd.tile.s32 @!p0 $0x1;
	_ =	shalt  }
.Lfunc_end2:
_tile_overlayer_lowered:
.L_overlay_start_2:
0x3f: {  	(tag) =	ssettag $0x2  }
0x40: {  	s0 =	rddreg [dreg:$0x0];
	s2 =	stileid.u32  }
0x41: {  	s1 =	rddreg [dreg:$0x1];
	p0 =	sne.s32 s2, $0x0  }
0x42: {  	s3 =	rddreg [dreg:$0x2];
	[bflag:$0x3] =	sbarrier.arrive $0xFFFF;
	s2 =	simm.s32 @!p0 $0x1C02  }
0x43: {  	[timem:s3], [sflag:s2] =	dma.local @!p0 [hbm:s0], s1  }
0x44: {  	s0 =	simm.s32 @!p0 $0x2  }
0x45: {  	_ =	swait.ge @!p0 [sflag:s0], s1  }
0x46: {  	s1 =	ssub.s32 @!p0 $0x0, s1;
	[sflag:s0] =	ssyncset.done @!p0 $0x0  }
0x47: {  	[sflag:s0] =	ssyncadd.s32 @!p0 s1  }
0x48: {  	[bflag:$0x3] =	sbarrier.arrive $0xFFFF  }
0x49: {  	_ =	shalt  }

// kernel: kernel.20.cloned.1.call-start
scs
__scs_entry_jumppad:
0x0: {  	(pc) =	sbr.rel $0x88, $3  }
0x1: {  	(tag) =	ssettag $0x0;
	lr =	simm.s32 $0x1  }
0x2: {  	[smem:$0x3F98] =	sst lr;
	_ =	strace $0xD0000000  }
0x3: {  	_ = 	snop  }
0x4: {  	_ = 	snop  }
0x5: {  	_ = 	snop  }
0x6: {  	_ = 	snop  }
0x7: {  	_ = 	snop  }
__scs_overlays_trampoline_lowered:
0x8: {  	[smem:$0x3FA7] =	sst s0  }
0x9: {  	[smem:$0x3FA8] =	sst s1  }
0xa: {  	[smem:$0x3FA9] =	sst s2  }
0xb: {  	[smem:$0x3FAA] =	sst s3  }
0xc: {  	[smem:$0x3FAB] =	sst s4  }
0xd: {  	[smem:$0x3FAC] =	sst s5  }
0xe: {  	[smem:$0x3FAD] =	sst s6  }
0xf: {  	[smem:$0x3FAE] =	sst s7  }
0x10: {  	[smem:$0x3FAF] =	sst s8  }
0x11: {  	[smem:$0x3FB0] =	sst s9;
	s0 =	simm.s32 @!p0 $0x0  }
0x12: {  	s1 =	sld [smem:$0x3F96];
	s0 =	simm.s32 @p0 $0x1  }
0x13: {  	[smem:$0x3FB1] =	sst s0;
	s0 =	simm.s32 @!p1 $0x0  }
0x14: {  	s2 =	sld [smem:$0x3F95];
	s0 =	simm.s32 @p1 $0x1  }
0x15: {  	[smem:$0x3FB2] =	sst s0;
	s0 =	simm.s32 @!p2 $0x0  }
0x16: {  	s3 =	sld [smem:$0x3FDB];
	s0 =	simm.s32 @p2 $0x1  }
0x17: {  	s4 =	simm.s32 $0x1BF5;
	[smem:$0x3FB4] =	sst s0  }
0x18: {  	s0 =	sld [smem:$0x3F97];
	_ =	swait.ge [sflag:s4], $0x0  }
0x19: {  	s7 =	sld [smem:$0x3F98]  }
0x1a: {  	s8 =	sadd.s32 $0xFFFFE003, lr  }
0x1b: {  	s9 =	sadd.s32 $0xFFFFFEF7, lr;
	s5 =	simm.s32 $0xFFFFFFFF;
	p2 =	slt.u32 s8, $0xFFFFF086  }
0x1c: {  	p1 =	slt.u32 s9, $0xF7A;
	s5 =	simm.s32 @!p2 $0x0  }
0x1d: {  	s5 =	simm.s32 @p1 $0x1;
	p0 =	seq.s32 s7, s2  }
0x1e: {  	s7 =	smul.u32 @!p0 $0xF7A, s2;
	p2 =	seq.s32 @!p0 s5, $0x0  }
0x1f: {  	s9 =	smul.u32 $0xF7A, s1;
	s8 =	simm.s32 @!p0 $0x1BF5;
	p2 =	por !p2, p0  }
0x20: {  	[sflag:s8] =	ssyncset.s32 @!p0 $0xFFFFF086;
	s6 =	sadd.s32 @!p0 s3, s7;
	s7 =	simm.s32 @!p0 $0x108  }
0x21: {  	s3 =	sadd.s32 s3, s9;
	s6 =	sadd.s32 @!p0 $0x88, s6;
	s7 =	simm.s32 @p2 $0x1082  }
0x22: {  	[simem:s7], [sflag:s8] =	dma.local @!p0 [hbm:s6], $0xF7A  }
0x23: {  	s9 =	sor.u32 $0xD0000000, s2;
	s6 =	simm.s32 $0x108;
	_ =	swait.ge @!p0 [sflag:s8], $0x0  }
0x24: {  	s3 =	sadd.s32 $0x88, s3;
	s6 =	simm.s32 @!p1 $0x1082;
	[sflag:s4] =	ssyncset.s32 $0xFFFFF086  }
0x25: {  	[simem:s6], [sflag:s4] =	dma.local [hbm:s3], $0xF7A  }
0x26: {  	[smem:$0x3F98] =	sst s1;
	(tag) =	ssettag s2;
	_ =	strace s9  }
0x27: {  	s1 =	sld [smem:$0x3FA8]  }
0x28: {  	s2 =	sld [smem:$0x3FA9]  }
0x29: {  	s4 =	sld [smem:$0x3FAB]  }
0x2a: {  	p0 =	seq.s32 s5, $0x0;
	s5 =	sld [smem:$0x3FAC]  }
0x2b: {  	s6 =	sld [smem:$0x3FAD]  }
0x2c: {  	s7 =	sld [smem:$0x3FAE]  }
0x2d: {  	s3 =	simm.s32 $0x108;
	s8 =	sld [smem:$0x3FAF]  }
0x2e: {  	s3 =	simm.s32 @!p0 $0x1082;
	s9 =	sld [smem:$0x3FB0]  }
0x2f: {  	lr =	sadd.s32 s0, s3;
	s0 =	sld [smem:$0x3FA7]  }
0x30: {  	s3 =	sld [smem:$0x3FAA]  }
0x31: {  	[smem:$0x3FB3] =	sst s10  }
0x32: {  	s10 =	sld [smem:$0x3FB1];
	_ =	sdelay $0x3  }
0x33: {  	p0 =	seq.s32 s10, $0x1;
	s10 =	sld [smem:$0x3FB3];
	_ =	sdelay $0x3  }
0x34: {  	[smem:$0x3FB3] =	sst s10  }
0x35: {  	s10 =	sld [smem:$0x3FB2];
	_ =	sdelay $0x3  }
0x36: {  	p1 =	seq.s32 s10, $0x1;
	s10 =	sld [smem:$0x3FB3];
	_ =	sdelay $0x3  }
0x37: {  	[smem:$0x3FB3] =	sst s10  }
0x38: {  	s10 =	sld [smem:$0x3FB4]  }
0x39: {  	_ = 	snop;
	(pc) =	sbr.ind lr, $3  }
0x3a: {  	_ = 	snop  }
0x3b: {  	_ = 	snop  }
0x3c: {  	p2 =	seq.s32 s10, $0x1;
	s10 =	sld [smem:$0x3FB3]  }
0x3d: {  	_ =	shalt  }
0x3e: {  	_ =	shalt  }
0x3f: {  	_ =	shalt  }
0x40: {  	_ =	shalt  }
0x41: {  	_ =	shalt  }
0x42: {  	_ =	shalt  }
0x43: {  	_ =	shalt  }
0x44: {  	_ =	shalt  }
0x45: {  	_ =	shalt  }
0x46: {  	_ =	shalt  }
0x47: {  	_ =	shalt  }
0x48: {  	_ =	shalt  }
0x49: {  	_ =	shalt  }
0x4a: {  	_ =	shalt  }
0x4b: {  	_ =	shalt  }
0x4c: {  	_ =	shalt  }
0x4d: {  	_ =	shalt  }
0x4e: {  	_ =	shalt  }
0x4f: {  	_ =	shalt  }
0x50: {  	_ =	shalt  }
0x51: {  	_ =	shalt  }
0x52: {  	_ =	shalt  }
0x53: {  	_ =	shalt  }
0x54: {  	_ =	shalt  }
0x55: {  	_ =	shalt  }
0x56: {  	_ =	shalt  }
0x57: {  	_ =	shalt  }
0x58: {  	_ =	shalt  }
0x59: {  	_ =	shalt  }
0x5a: {  	_ =	shalt  }
0x5b: {  	_ =	shalt  }
0x5c: {  	_ =	shalt  }
0x5d: {  	_ =	shalt  }
0x5e: {  	_ =	shalt  }
0x5f: {  	_ =	shalt  }
0x60: {  	_ =	shalt  }
0x61: {  	_ =	shalt  }
0x62: {  	_ =	shalt  }
0x63: {  	_ =	shalt  }
0x64: {  	_ =	shalt  }
0x65: {  	_ =	shalt  }
0x66: {  	_ =	shalt  }
0x67: {  	_ =	shalt  }
0x68: {  	_ =	shalt  }
0x69: {  	_ =	shalt  }
0x6a: {  	_ =	shalt  }
0x6b: {  	_ =	shalt  }
0x6c: {  	_ =	shalt  }
0x6d: {  	_ =	shalt  }
0x6e: {  	_ =	shalt  }
0x6f: {  	_ =	shalt  }
0x70: {  	_ =	shalt  }
0x71: {  	_ =	shalt  }
0x72: {  	_ =	shalt  }
0x73: {  	_ =	shalt  }
0x74: {  	_ =	shalt  }
0x75: {  	_ =	shalt  }
0x76: {  	_ =	shalt  }
0x77: {  	_ =	shalt  }
0x78: {  	_ =	shalt  }
0x79: {  	_ =	shalt  }
0x7a: {  	_ =	shalt  }
0x7b: {  	_ =	shalt  }
0x7c: {  	_ =	shalt  }
0x7d: {  	_ =	shalt  }
0x7e: {  	_ =	shalt  }
0x7f: {  	_ =	shalt  }
0x80: {  	_ =	shalt  }
0x81: {  	_ =	shalt  }
0x82: {  	_ =	shalt  }
0x83: {  	_ =	shalt  }
0x84: {  	_ =	shalt  }
0x85: {  	_ =	shalt  }
0x86: {  	_ =	shalt  }
0x87: {  	_ =	shalt  }
.Lfunc_end0:
.L_simem_size_0:
called_computation.3_lowered:
.L_overlay_start_0:
0x88: {  	s2 =	sld [smem:$0x3FD9]  }
0x89: {  	s3 =	sld [smem:$0x3FFE];
	_ =	sdelay $0x1  }
0x8a: {  	s1 =	srdreg.scid  }
0x8b: {  	s0 =	sand.u32 $0x1, s1  }
0x8c: {  	s16 =	sshll.u32 s0, $0xA;
	s2 =	sadd.s32 s3, s2  }
0x8d: {  	s2 =	sadd.s32 s2, s16  }
0x8e: {  	[smem:$0x3FBF] =	sst s2  }
0x8f: {  	_ = 	snop  }
0x90: {  	(tm) =	ssettm $0x1  }
0x91: {  	s17 =	sld [smem:$0x3FFB];
	_ =	sdelay $0x3  }
0x92: {  	_ =	strace s17  }
0x93: {  	s2 =	sld [smem:$0x3FFC];
	_ =	sdelay $0x3  }
0x94: {  	_ =	strace s2  }
0x95: {  	s2 =	sld [smem:$0x3FFD];
	_ =	sdelay $0x3  }
0x96: {  	_ =	strace s2  }
0x97: {  	_ =	strace $0x8FFFFFFF  }
0x98: {  	s18 =	sld [smem:$0x3FDB];
	_ =	sdelay $0x1  }
0x99: {  	s19 =	simm.s32 $_scs_section_size  }
0x9a: {  	s4 =	simm.s32 $_size__tile_overlayer_lowered;
	s5 =	simm.s32 $_tile_overlayer_lowered  }
0x9b: {  	s22 =	simm.s32 $0x1BFF;
	s21 =	sshll.u32 s5, $0x1;
	s2 =	sadd.s32 s19, s18  }
0x9c: {  	s6 =	simm.s32 $0x0;
	s20 =	sshll.u32 s4, $0x1;
	s4 =	sadd.s32 s21, s2  }
0x9d: {  	[timem:s6], [sflag:s22] =	dma.local [hbm:s4], s20  }
0x9e: {  	_ =	swait.ge [sflag:s22], s20  }
0x9f: {  	s3 =	ssub.s32 $0x0, s20;
	[sflag:s22] =	ssyncset.done $0x0  }
0xa0: {  	[sflag:s22] =	ssyncadd.s32 s3;
	_ =	sdelay $0x1  }
0xa1: {  	s23 =	simm.s32 $0x1B8B  }
0xa2: {  	_ =	swait.ge [sflag:s23], $0x1  }
0xa3: {  	[sflag:s23] =	ssyncset.done $0x0  }
0xa4: {  	s25 =	simm.s32 $0x1B8E;
	s24 =	sld [smem:$0x3FFE];
	[sflag:s23] =	ssyncadd.s32 $0xFFFFFFFF  }
0xa5: {  	s26 =	simm.s32 $execute0_lowered;
	[smem:$0x3FD2] =	sst s25  }
0xa6: {  	s4 =	sshll.u32 s26, $0x1;
	_ =	strace $0x8000004C;
	[dreg:$0x1] =	wrdreg $0xFFFFFFFF  }
0xa7: {  	s28 =	simm.s32 $_size_execute0_lowered;
	s2 =	sadd.s32 s2, s4;
	[dreg:$0x0] =	wrdreg $0x0  }
0xa8: {  	s4 =	sshll.u32 s28, $0x1;
	[dreg:$0x2] =	wrdreg s2  }
0xa9: {  	[dreg:$0x3] =	wrdreg s4  }
0xaa: {  	[dreg:$0x4] =	wrdreg $0xC0  }
0xab: {  	_ =	task [dreg:s6], $0x5FFFF  }
0xac: {  	[dreg:$0x1] =	wrdreg $0xFFFFFFFF  }
0xad: {  	[dreg:$0x0] =	wrdreg $0x60  }
0xae: {  	[dreg:$0x2] =	wrdreg s24  }
0xaf: {  	[dreg:$0x3] =	wrdreg $0x90000  }
0xb0: {  	[dreg:$0x4] =	wrdreg $0xA  }
0xb1: {  	_ =	task.clear_ibuf [dreg:s6], $0x5FFFF;
	_ =	strace $0x9000004C  }
0xb2: {  	s29 =	simm.s32 $0xA;
	_ =	strace $0x8000004E  }
0xb3: {  	_ =	swait.ge [sflag:s29], $0x1  }
0xb4: {  	[sflag:s29] =	ssyncadd.s32 $0xFFFFFFFF  }
0xb5: {  	_ =	strace $0x9000004E  }
0xb6: {  	_ =	sfence  }
0xb7: {  	s30 =	sld [smem:$0x0];
	_ =	sdelay $0x2  }
0xb8: {  	s31 =	sshll.u32 s1, $0xD;
	s1 =	sshrl.u32 s1, $0x2  }
0xb9: {  	s3 =	sand.u32 $0x4000, s31;
	s1 =	sadd.s32 s1, s30  }
0xba: {  	s0 =	sor.u32 s3, s0;
	s1 =	sshll.u32 s1, $0x11  }
0xbb: {  	s0 =	sor.u32 s1, s0  }
0xbc: {  	s0 =	sadd.s32 $0x8F2B, s0  }
0xbd: {  	[sflag:s0] =	ssyncadd.remote.s32 $0x1  }
0xbe: {  	_ =	sfence.sel $0xFFFF  }
0xbf: {  	[dreg:$0x0] =	wrdreg $0xFFFFFFFF;
	(pc) =	sbr.abs _section_cstart, $3  }
0xc0: {  	[dreg:$0x1] =	wrdreg $0xFFFFFFFF  }
0xc1: {  	_ =	task.clear_ibuf [dreg:s6], $0x2FFFF;
	_ =	strace $0x9FFFFFFF  }
0xc2: {  	(tm) =	ssettm $0x7FFFFFFF  }
0xc3: {  	_ =	shalt  }
tec
execute0_lowered:
.L_overlay_start_1:
0x0: {  	(tag) =	ssettag $0x1  }
0x1: {  	s9 =	rddreg [dreg:$0x0]  }
0x2: {  	s0 =	srdreg.scid;
	s2 =	rddreg [dreg:$0x1]  }
0x3: {  	s3 =	simm.s32 $0x0;
	s13 =	simm.s32 $0xBC600;
	s15 =	simm.s32 $0x5000  }
0x4: {  	s16 =	simm.s32 $0x1;
	s17 =	simm.s32 $0x0;
	s6 =	sand.u32 $0x1, s0  }
0x5: {  	s0 =	stileid.u32;
	[smem:$0x7FF] =	sst s3;
	s1 =	sshll.u32 s6, $0x4  }
0x6: {  	s7 =	smul.u32 $0x50000, s0;
	s8 =	ssub.s32 $0x2, s6;
	s30 =	sshll.u32 s0, $0x6  }
0x7: {  	p0 =	seq.s32 s6, $0x1;
	s14 =	smul.u32 $0x2800, s0;
	s4 =	sor.u32 s0, s1  }
0x8: {  	s1 =	rddreg [dreg:$0x2];
	_ =	strace $0x8000004D;
	s11 =	sshrl.u32 s8, $0x1  }
0x9: {  	s6 =	sor.u32 $0x1C02, s30;
	s13 =	simm.s32 @!p0 $0x94600;
	s5 =	smul.u32 $0x500, s4  }
0xa: {  	s4 =	sadd.s32 $0x1C600, s9;
	s7 =	sshrl.u32 s7, $0x2;
	s11 =	ssub.s32 s8, s11  }
0xb: {  	s31 =	sadd.s32 s13, s9;
	s13 =	simm.s32 $0x2800;
	s12 =	sadd.s32 s7, s2  }
0xc: {  	s10 =	sadd.s32 s5, s9;
	s5 =	sadd.s32 $0x19E00, s9;
	s9 =	smax.u32 s11, $0x1  }
0xd: {  	s11 =	sshrl.u32 s12, $0x3;
	s12 =	simm.s32 $0x2;
	s7 =	sadd.s32 $0x5E00, s10  }
0xe: {  	s8 =	sadd.s32 $0xFE00, s10;
	s10 =	sadd.s32 s31, s14;
	s14 =	simm.s32 $0x80  }
.LBB2_1:
0xf: {  	[spmem:s11], [sflag:s6] =	dma.local [hbm:s5], $0x2800  }
0x10: {  	_ =	swait.ge [sflag:s12], $0x2800  }
0x11: {  	[sflag:s12] =	ssyncset.done $0x0  }
0x12: {  	[sflag:s12] =	ssyncadd.s32 $0xFFFFD800  }
0x13: {  	[tilespmem:s3], [sflag:$0x2] =	stream.linear.gather [hbm4b:s7+s3], $0x2780, $0x38;
	[tilespmem:$0x1D000] =	vst v63  }
0x14: {  	_ =	swait.ge [sflag:s12], $0x2780  }
0x15: {  	[sflag:s12] =	ssyncset.done $0x0  }
0x16: {  	[sflag:s12] =	ssyncadd.s32 $0xFFFFD880  }
0x17: {  	[tilespmem:s13], [sflag:$0x2] =	stream.linear.gather [hbm4b:s8+s3], $0x2780, $0x38;
	[tilespmem:$0x1D000] =	vst v63  }
0x18: {  	_ =	swait.ge [sflag:s12], $0x2780  }
0x19: {  	[sflag:s12] =	ssyncset.done $0x0  }
0x1a: {  	[sflag:s12] =	ssyncadd.s32 $0xFFFFD880  }
0x1b: {  	s18 =	simm.s32 $0x0;
	[bflag:$0x0] =	sbarrier.arrive $0xFFFF  }
0x1c: {  	[tilespmem:s15], [sflag:$0x1] =	stream.indirect.gather [hbm4b:s4+s14], $0x80, s18, s14, $0xb8;
	[tilespmem:$0x1D000] =	vst v63  }
0x1d: {  	_ =	swait.ge [sflag:s16], $0x4000  }
0x1e: {  	[sflag:s16] =	ssyncset.done $0x0  }
0x1f: {  	s31 =	simm.s32 $0x2800;
	[sflag:s16] =	ssyncadd.s32 $0xFFFFC000  }
0x20: {  	[spmem:s2] =	stream.indirect.scatter.add.f32 [tilespmem:s15], [sflag:$0x2], $0x80, s31, s14, $0xb8;
	[tilespmem:$0x1D000] =	vst v63  }
0x21: {  	_ =	swait.ge [sflag:s12], $0x4000  }
0x22: {  	s19 =	simm.s32 $0x400;
	s18 =	simm.s32 $0x200;
	[sflag:s12] =	ssyncset.done $0x0  }
.LBB2_2:
0x23: {  	s20 =	sshra.s32 s18, $0x2  }
0x24: {  	[sflag:s12] =	ssyncadd.s32 $0xFFFFC000;
	s18 =	smov.u32 s19;
	s21 =	sadd.s32 $0x200, s19  }
0x25: {  	[tilespmem:s15], [sflag:$0x1] =	stream.indirect.gather [hbm4b:s4+s14], $0x80, s20, s14, $0xb8;
	[tilespmem:$0x1D000] =	vst v63  }
0x26: {  	p0 =	sne.s32 s19, $0x9C00;
	_ =	swait.ge [sflag:s16], $0x4000  }
.Ltmp0:
0x27: {  	[sflag:s16] =	ssyncset.done $0x0;
	(pc) =	sbr.rel @p0 .LBB2_2-.Ltmp0, $4  }
0x28: {  	s19 =	sadd.s32 $0x2800, s20;
	[sflag:s16] =	ssyncadd.s32 $0xFFFFC000  }
0x29: {  	[spmem:s2] =	stream.indirect.scatter.add.f32 [tilespmem:s15], [sflag:$0x2], $0x80, s19, s14, $0xb8;
	[tilespmem:$0x1D000] =	vst v63  }
0x2a: {  	_ =	swait.ge [sflag:s12], $0x4000  }
0x2b: {  	s19 =	smov.u32 s21;
	[sflag:s12] =	ssyncset.done $0x0  }
0x2c: {  	s18 =	sshra.s32 s18, $0x2;
	[sflag:s12] =	ssyncadd.s32 $0xFFFFC000  }
0x2d: {  	[tilespmem:s15], [sflag:$0x1] =	stream.indirect.gather [hbm4b:s4+s14], $0x80, s18, s14, $0xb8;
	[tilespmem:$0x1D000] =	vst v63  }
0x2e: {  	_ =	swait.ge [sflag:s16], $0x4000  }
0x2f: {  	[sflag:s16] =	ssyncset.done $0x0  }
0x30: {  	s18 =	sadd.s32 $0x2800, s18;
	[sflag:s16] =	ssyncadd.s32 $0xFFFFC000  }
0x31: {  	[spmem:s2] =	stream.indirect.scatter.add.f32 [tilespmem:s15], [sflag:$0x2], $0x80, s18, s14, $0xb8;
	[tilespmem:$0x1D000] =	vst v63  }
0x32: {  	_ =	swait.ge [sflag:s12], $0x4000  }
0x33: {  	s17 =	sadd.s32 $0x1, s17;
	[sflag:s12] =	ssyncset.done $0x0  }
0x34: {  	p0 =	sne.s32 s17, s9;
	[sflag:s12] =	ssyncadd.s32 $0xFFFFC000  }
.Ltmp1:
0x35: {  	[bflag:$0x0] =	sbarrier.arrive $0xFFFF;
	(pc) =	sbr.rel @p0 .LBB2_1-.Ltmp1, $4  }
0x36: {  	[hbm:s10], [sflag:s6] =	dma.local [spmem:s11], $0x2800  }
0x37: {  	_ =	swait.ge [sflag:s12], $0x2800  }
0x38: {  	[sflag:s12] =	ssyncset.done $0x0  }
0x39: {  	[sflag:s12] =	ssyncadd.s32 $0xFFFFD800  }
0x3a: {  	_ =	sfence.sel $0x180000  }
0x3b: {  	[bflag:$0x0] =	sbarrier.arrive $0xFFFF  }
0x3c: {  	p0 =	sne.s32 s0, $0x0;
	_ =	strace $0x9000004D  }
0x3d: {  	s0 =	sadd.s32 @!p0 $0x100000, s1;
	[bflag:$0x2] =	sbarrier.arrive $0xFFFF  }
0x3e: {  	[sflag:s0] =	ssyncadd.tile.s32 @!p0 $0x1;
	_ =	shalt  }
.Lfunc_end2:
_tile_overlayer_lowered:
.L_overlay_start_2:
0x3f: {  	(tag) =	ssettag $0x2  }
0x40: {  	s0 =	rddreg [dreg:$0x0];
	s2 =	stileid.u32  }
0x41: {  	s1 =	rddreg [dreg:$0x1];
	p0 =	sne.s32 s2, $0x0  }
0x42: {  	s3 =	rddreg [dreg:$0x2];
	[bflag:$0x3] =	sbarrier.arrive $0xFFFF;
	s2 =	simm.s32 @!p0 $0x1C02  }
0x43: {  	[timem:s3], [sflag:s2] =	dma.local @!p0 [hbm:s0], s1  }
0x44: {  	s0 =	simm.s32 @!p0 $0x2  }
0x45: {  	_ =	swait.ge @!p0 [sflag:s0], s1  }
0x46: {  	s1 =	ssub.s32 @!p0 $0x0, s1;
	[sflag:s0] =	ssyncset.done @!p0 $0x0  }
0x47: {  	[sflag:s0] =	ssyncadd.s32 @!p0 s1  }
0x48: {  	[bflag:$0x3] =	sbarrier.arrive $0xFFFF  }
0x49: {  	_ =	shalt  }

// kernel: kernel.23.cloned.1.call-start
scs
__scs_entry_jumppad:
0x0: {  	(pc) =	sbr.rel $0x88, $3  }
0x1: {  	(tag) =	ssettag $0x0;
	lr =	simm.s32 $0x1  }
0x2: {  	[smem:$0x3F98] =	sst lr;
	_ =	strace $0xD0000000  }
0x3: {  	_ = 	snop  }
0x4: {  	_ = 	snop  }
0x5: {  	_ = 	snop  }
0x6: {  	_ = 	snop  }
0x7: {  	_ = 	snop  }
__scs_overlays_trampoline_lowered:
0x8: {  	[smem:$0x3FA7] =	sst s0  }
0x9: {  	[smem:$0x3FA8] =	sst s1  }
0xa: {  	[smem:$0x3FA9] =	sst s2  }
0xb: {  	[smem:$0x3FAA] =	sst s3  }
0xc: {  	[smem:$0x3FAB] =	sst s4  }
0xd: {  	[smem:$0x3FAC] =	sst s5  }
0xe: {  	[smem:$0x3FAD] =	sst s6  }
0xf: {  	[smem:$0x3FAE] =	sst s7  }
0x10: {  	[smem:$0x3FAF] =	sst s8  }
0x11: {  	[smem:$0x3FB0] =	sst s9;
	s0 =	simm.s32 @!p0 $0x0  }
0x12: {  	s1 =	sld [smem:$0x3F96];
	s0 =	simm.s32 @p0 $0x1  }
0x13: {  	[smem:$0x3FB1] =	sst s0;
	s0 =	simm.s32 @!p1 $0x0  }
0x14: {  	s2 =	sld [smem:$0x3F95];
	s0 =	simm.s32 @p1 $0x1  }
0x15: {  	[smem:$0x3FB2] =	sst s0;
	s0 =	simm.s32 @!p2 $0x0  }
0x16: {  	s3 =	sld [smem:$0x3FDB];
	s0 =	simm.s32 @p2 $0x1  }
0x17: {  	s4 =	simm.s32 $0x1BF5;
	[smem:$0x3FB4] =	sst s0  }
0x18: {  	s0 =	sld [smem:$0x3F97];
	_ =	swait.ge [sflag:s4], $0x0  }
0x19: {  	s7 =	sld [smem:$0x3F98]  }
0x1a: {  	s8 =	sadd.s32 $0xFFFFE003, lr  }
0x1b: {  	s9 =	sadd.s32 $0xFFFFFEF7, lr;
	s5 =	simm.s32 $0xFFFFFFFF;
	p2 =	slt.u32 s8, $0xFFFFF086  }
0x1c: {  	p1 =	slt.u32 s9, $0xF7A;
	s5 =	simm.s32 @!p2 $0x0  }
0x1d: {  	s5 =	simm.s32 @p1 $0x1;
	p0 =	seq.s32 s7, s2  }
0x1e: {  	s7 =	smul.u32 @!p0 $0xF7A, s2;
	p2 =	seq.s32 @!p0 s5, $0x0  }
0x1f: {  	s9 =	smul.u32 $0xF7A, s1;
	s8 =	simm.s32 @!p0 $0x1BF5;
	p2 =	por !p2, p0  }
0x20: {  	[sflag:s8] =	ssyncset.s32 @!p0 $0xFFFFF086;
	s6 =	sadd.s32 @!p0 s3, s7;
	s7 =	simm.s32 @!p0 $0x108  }
0x21: {  	s3 =	sadd.s32 s3, s9;
	s6 =	sadd.s32 @!p0 $0x88, s6;
	s7 =	simm.s32 @p2 $0x1082  }
0x22: {  	[simem:s7], [sflag:s8] =	dma.local @!p0 [hbm:s6], $0xF7A  }
0x23: {  	s9 =	sor.u32 $0xD0000000, s2;
	s6 =	simm.s32 $0x108;
	_ =	swait.ge @!p0 [sflag:s8], $0x0  }
0x24: {  	s3 =	sadd.s32 $0x88, s3;
	s6 =	simm.s32 @!p1 $0x1082;
	[sflag:s4] =	ssyncset.s32 $0xFFFFF086  }
0x25: {  	[simem:s6], [sflag:s4] =	dma.local [hbm:s3], $0xF7A  }
0x26: {  	[smem:$0x3F98] =	sst s1;
	(tag) =	ssettag s2;
	_ =	strace s9  }
0x27: {  	s1 =	sld [smem:$0x3FA8]  }
0x28: {  	s2 =	sld [smem:$0x3FA9]  }
0x29: {  	s4 =	sld [smem:$0x3FAB]  }
0x2a: {  	p0 =	seq.s32 s5, $0x0;
	s5 =	sld [smem:$0x3FAC]  }
0x2b: {  	s6 =	sld [smem:$0x3FAD]  }
0x2c: {  	s7 =	sld [smem:$0x3FAE]  }
0x2d: {  	s3 =	simm.s32 $0x108;
	s8 =	sld [smem:$0x3FAF]  }
0x2e: {  	s3 =	simm.s32 @!p0 $0x1082;
	s9 =	sld [smem:$0x3FB0]  }
0x2f: {  	lr =	sadd.s32 s0, s3;
	s0 =	sld [smem:$0x3FA7]  }
0x30: {  	s3 =	sld [smem:$0x3FAA]  }
0x31: {  	[smem:$0x3FB3] =	sst s10  }
0x32: {  	s10 =	sld [smem:$0x3FB1];
	_ =	sdelay $0x3  }
0x33: {  	p0 =	seq.s32 s10, $0x1;
	s10 =	sld [smem:$0x3FB3];
	_ =	sdelay $0x3  }
0x34: {  	[smem:$0x3FB3] =	sst s10  }
0x35: {  	s10 =	sld [smem:$0x3FB2];
	_ =	sdelay $0x3  }
0x36: {  	p1 =	seq.s32 s10, $0x1;
	s10 =	sld [smem:$0x3FB3];
	_ =	sdelay $0x3  }
0x37: {  	[smem:$0x3FB3] =	sst s10  }
0x38: {  	s10 =	sld [smem:$0x3FB4]  }
0x39: {  	_ = 	snop;
	(pc) =	sbr.ind lr, $3  }
0x3a: {  	_ = 	snop  }
0x3b: {  	_ = 	snop  }
0x3c: {  	p2 =	seq.s32 s10, $0x1;
	s10 =	sld [smem:$0x3FB3]  }
0x3d: {  	_ =	shalt  }
0x3e: {  	_ =	shalt  }
0x3f: {  	_ =	shalt  }
0x40: {  	_ =	shalt  }
0x41: {  	_ =	shalt  }
0x42: {  	_ =	shalt  }
0x43: {  	_ =	shalt  }
0x44: {  	_ =	shalt  }
0x45: {  	_ =	shalt  }
0x46: {  	_ =	shalt  }
0x47: {  	_ =	shalt  }
0x48: {  	_ =	shalt  }
0x49: {  	_ =	shalt  }
0x4a: {  	_ =	shalt  }
0x4b: {  	_ =	shalt  }
0x4c: {  	_ =	shalt  }
0x4d: {  	_ =	shalt  }
0x4e: {  	_ =	shalt  }
0x4f: {  	_ =	shalt  }
0x50: {  	_ =	shalt  }
0x51: {  	_ =	shalt  }
0x52: {  	_ =	shalt  }
0x53: {  	_ =	shalt  }
0x54: {  	_ =	shalt  }
0x55: {  	_ =	shalt  }
0x56: {  	_ =	shalt  }
0x57: {  	_ =	shalt  }
0x58: {  	_ =	shalt  }
0x59: {  	_ =	shalt  }
0x5a: {  	_ =	shalt  }
0x5b: {  	_ =	shalt  }
0x5c: {  	_ =	shalt  }
0x5d: {  	_ =	shalt  }
0x5e: {  	_ =	shalt  }
0x5f: {  	_ =	shalt  }
0x60: {  	_ =	shalt  }
0x61: {  	_ =	shalt  }
0x62: {  	_ =	shalt  }
0x63: {  	_ =	shalt  }
0x64: {  	_ =	shalt  }
0x65: {  	_ =	shalt  }
0x66: {  	_ =	shalt  }
0x67: {  	_ =	shalt  }
0x68: {  	_ =	shalt  }
0x69: {  	_ =	shalt  }
0x6a: {  	_ =	shalt  }
0x6b: {  	_ =	shalt  }
0x6c: {  	_ =	shalt  }
0x6d: {  	_ =	shalt  }
0x6e: {  	_ =	shalt  }
0x6f: {  	_ =	shalt  }
0x70: {  	_ =	shalt  }
0x71: {  	_ =	shalt  }
0x72: {  	_ =	shalt  }
0x73: {  	_ =	shalt  }
0x74: {  	_ =	shalt  }
0x75: {  	_ =	shalt  }
0x76: {  	_ =	shalt  }
0x77: {  	_ =	shalt  }
0x78: {  	_ =	shalt  }
0x79: {  	_ =	shalt  }
0x7a: {  	_ =	shalt  }
0x7b: {  	_ =	shalt  }
0x7c: {  	_ =	shalt  }
0x7d: {  	_ =	shalt  }
0x7e: {  	_ =	shalt  }
0x7f: {  	_ =	shalt  }
0x80: {  	_ =	shalt  }
0x81: {  	_ =	shalt  }
0x82: {  	_ =	shalt  }
0x83: {  	_ =	shalt  }
0x84: {  	_ =	shalt  }
0x85: {  	_ =	shalt  }
0x86: {  	_ =	shalt  }
0x87: {  	_ =	shalt  }
.Lfunc_end0:
.L_simem_size_0:
called_computation.4_lowered:
.L_overlay_start_0:
0x88: {  	s2 =	sld [smem:$0x3FD9]  }
0x89: {  	s3 =	sld [smem:$0x3FFE];
	_ =	sdelay $0x1  }
0x8a: {  	s1 =	srdreg.scid  }
0x8b: {  	s0 =	sand.u32 $0x1, s1  }
0x8c: {  	s16 =	sshll.u32 s0, $0xA;
	s2 =	sadd.s32 s3, s2  }
0x8d: {  	s2 =	sadd.s32 s2, s16  }
0x8e: {  	[smem:$0x3FBF] =	sst s2  }
0x8f: {  	_ = 	snop  }
0x90: {  	(tm) =	ssettm $0x1  }
0x91: {  	s17 =	sld [smem:$0x3FFB];
	_ =	sdelay $0x3  }
0x92: {  	_ =	strace s17  }
0x93: {  	s2 =	sld [smem:$0x3FFC];
	_ =	sdelay $0x3  }
0x94: {  	_ =	strace s2  }
0x95: {  	s2 =	sld [smem:$0x3FFD];
	_ =	sdelay $0x3  }
0x96: {  	_ =	strace s2  }
0x97: {  	_ =	strace $0x8FFFFFFF  }
0x98: {  	s18 =	sld [smem:$0x3FDB];
	_ =	sdelay $0x1  }
0x99: {  	s19 =	simm.s32 $_scs_section_size  }
0x9a: {  	s4 =	simm.s32 $_size__tile_overlayer_lowered;
	s5 =	simm.s32 $_tile_overlayer_lowered  }
0x9b: {  	s22 =	simm.s32 $0x1BFF;
	s21 =	sshll.u32 s5, $0x1;
	s2 =	sadd.s32 s19, s18  }
0x9c: {  	s6 =	simm.s32 $0x0;
	s20 =	sshll.u32 s4, $0x1;
	s4 =	sadd.s32 s21, s2  }
0x9d: {  	[timem:s6], [sflag:s22] =	dma.local [hbm:s4], s20  }
0x9e: {  	_ =	swait.ge [sflag:s22], s20  }
0x9f: {  	s3 =	ssub.s32 $0x0, s20;
	[sflag:s22] =	ssyncset.done $0x0  }
0xa0: {  	[sflag:s22] =	ssyncadd.s32 s3;
	_ =	sdelay $0x1  }
0xa1: {  	s23 =	simm.s32 $0x1B8B  }
0xa2: {  	_ =	swait.ge [sflag:s23], $0x1  }
0xa3: {  	[sflag:s23] =	ssyncset.done $0x0  }
0xa4: {  	s25 =	simm.s32 $0x1B8E;
	s24 =	sld [smem:$0x3FFE];
	[sflag:s23] =	ssyncadd.s32 $0xFFFFFFFF  }
0xa5: {  	s26 =	simm.s32 $execute0_lowered;
	[smem:$0x3FD2] =	sst s25  }
0xa6: {  	s4 =	sshll.u32 s26, $0x1;
	_ =	strace $0x80000052;
	[dreg:$0x1] =	wrdreg $0xFFFFFFFF  }
0xa7: {  	s28 =	simm.s32 $_size_execute0_lowered;
	s2 =	sadd.s32 s2, s4;
	[dreg:$0x0] =	wrdreg $0x0  }
0xa8: {  	s4 =	sshll.u32 s28, $0x1;
	[dreg:$0x2] =	wrdreg s2  }
0xa9: {  	[dreg:$0x3] =	wrdreg s4  }
0xaa: {  	[dreg:$0x4] =	wrdreg $0xC0  }
0xab: {  	_ =	task [dreg:s6], $0x5FFFF  }
0xac: {  	[dreg:$0x1] =	wrdreg $0xFFFFFFFF  }
0xad: {  	[dreg:$0x0] =	wrdreg $0x60  }
0xae: {  	[dreg:$0x2] =	wrdreg s24  }
0xaf: {  	[dreg:$0x3] =	wrdreg $0x90000  }
0xb0: {  	[dreg:$0x4] =	wrdreg $0x9  }
0xb1: {  	_ =	task.clear_ibuf [dreg:s6], $0x5FFFF;
	_ =	strace $0x90000052  }
0xb2: {  	s29 =	simm.s32 $0x9;
	_ =	strace $0x80000054  }
0xb3: {  	_ =	swait.ge [sflag:s29], $0x1  }
0xb4: {  	[sflag:s29] =	ssyncadd.s32 $0xFFFFFFFF  }
0xb5: {  	_ =	strace $0x90000054  }
0xb6: {  	_ =	sfence  }
0xb7: {  	s30 =	sld [smem:$0x0];
	_ =	sdelay $0x2  }
0xb8: {  	s31 =	sshll.u32 s1, $0xD;
	s1 =	sshrl.u32 s1, $0x2  }
0xb9: {  	s3 =	sand.u32 $0x4000, s31;
	s1 =	sadd.s32 s1, s30  }
0xba: {  	s0 =	sor.u32 s3, s0;
	s1 =	sshll.u32 s1, $0x11  }
0xbb: {  	s0 =	sor.u32 s1, s0  }
0xbc: {  	s0 =	sadd.s32 $0x8F2B, s0  }
0xbd: {  	[sflag:s0] =	ssyncadd.remote.s32 $0x1  }
0xbe: {  	_ =	sfence.sel $0xFFFF  }
0xbf: {  	[dreg:$0x0] =	wrdreg $0xFFFFFFFF;
	(pc) =	sbr.abs _section_cstart, $3  }
0xc0: {  	[dreg:$0x1] =	wrdreg $0xFFFFFFFF  }
0xc1: {  	_ =	task.clear_ibuf [dreg:s6], $0x2FFFF;
	_ =	strace $0x9FFFFFFF  }
0xc2: {  	(tm) =	ssettm $0x7FFFFFFF  }
0xc3: {  	_ =	shalt  }
tec
execute0_lowered:
.L_overlay_start_1:
0x0: {  	(tag) =	ssettag $0x1  }
0x1: {  	s9 =	rddreg [dreg:$0x0]  }
0x2: {  	s0 =	srdreg.scid;
	s2 =	rddreg [dreg:$0x1]  }
0x3: {  	s3 =	simm.s32 $0x0;
	s13 =	simm.s32 $0x94600;
	s15 =	simm.s32 $0x5000  }
0x4: {  	s16 =	simm.s32 $0x1;
	s17 =	simm.s32 $0x0;
	s6 =	sand.u32 $0x1, s0  }
0x5: {  	s0 =	stileid.u32;
	[smem:$0x7FF] =	sst s3;
	s1 =	sshll.u32 s6, $0x4  }
0x6: {  	s7 =	smul.u32 $0x50000, s0;
	s8 =	ssub.s32 $0x2, s6;
	s30 =	sshll.u32 s0, $0x6  }
0x7: {  	p0 =	seq.s32 s6, $0x1;
	s14 =	smul.u32 $0x2800, s0;
	s4 =	sor.u32 s0, s1  }
0x8: {  	s1 =	rddreg [dreg:$0x2];
	_ =	strace $0x80000053;
	s11 =	sshrl.u32 s8, $0x1  }
0x9: {  	s6 =	sor.u32 $0x1C02, s30;
	s13 =	simm.s32 @!p0 $0x6C600;
	s5 =	smul.u32 $0x500, s4  }
0xa: {  	s4 =	sadd.s32 $0x1C600, s9;
	s7 =	sshrl.u32 s7, $0x2;
	s11 =	ssub.s32 s8, s11  }
0xb: {  	s31 =	sadd.s32 s13, s9;
	s13 =	simm.s32 $0x2800;
	s12 =	sadd.s32 s7, s2  }
0xc: {  	s10 =	sadd.s32 s5, s9;
	s5 =	sadd.s32 $0x19E00, s9;
	s9 =	smax.u32 s11, $0x1  }
0xd: {  	s11 =	sshrl.u32 s12, $0x3;
	s12 =	simm.s32 $0x2;
	s7 =	sadd.s32 $0x5E00, s10  }
0xe: {  	s8 =	sadd.s32 $0xFE00, s10;
	s10 =	sadd.s32 s31, s14;
	s14 =	simm.s32 $0x80  }
.LBB2_1:
0xf: {  	[spmem:s11], [sflag:s6] =	dma.local [hbm:s5], $0x2800  }
0x10: {  	_ =	swait.ge [sflag:s12], $0x2800  }
0x11: {  	[sflag:s12] =	ssyncset.done $0x0  }
0x12: {  	[sflag:s12] =	ssyncadd.s32 $0xFFFFD800  }
0x13: {  	[tilespmem:s3], [sflag:$0x2] =	stream.linear.gather [hbm4b:s7+s3], $0x2780, $0x38;
	[tilespmem:$0x1D000] =	vst v63  }
0x14: {  	_ =	swait.ge [sflag:s12], $0x2780  }
0x15: {  	[sflag:s12] =	ssyncset.done $0x0  }
0x16: {  	[sflag:s12] =	ssyncadd.s32 $0xFFFFD880  }
0x17: {  	[tilespmem:s13], [sflag:$0x2] =	stream.linear.gather [hbm4b:s8+s3], $0x2780, $0x38;
	[tilespmem:$0x1D000] =	vst v63  }
0x18: {  	_ =	swait.ge [sflag:s12], $0x2780  }
0x19: {  	[sflag:s12] =	ssyncset.done $0x0  }
0x1a: {  	[sflag:s12] =	ssyncadd.s32 $0xFFFFD880  }
0x1b: {  	s18 =	simm.s32 $0x0;
	[bflag:$0x0] =	sbarrier.arrive $0xFFFF  }
0x1c: {  	[tilespmem:s15], [sflag:$0x1] =	stream.indirect.gather [hbm4b:s4+s14], $0x80, s18, s14, $0xb8;
	[tilespmem:$0x1D000] =	vst v63  }
0x1d: {  	_ =	swait.ge [sflag:s16], $0x4000  }
0x1e: {  	[sflag:s16] =	ssyncset.done $0x0  }
0x1f: {  	s31 =	simm.s32 $0x2800;
	[sflag:s16] =	ssyncadd.s32 $0xFFFFC000  }
0x20: {  	[spmem:s2] =	stream.indirect.scatter.add.f32 [tilespmem:s15], [sflag:$0x2], $0x80, s31, s14, $0xb8;
	[tilespmem:$0x1D000] =	vst v63  }
0x21: {  	_ =	swait.ge [sflag:s12], $0x4000  }
0x22: {  	s19 =	simm.s32 $0x400;
	s18 =	simm.s32 $0x200;
	[sflag:s12] =	ssyncset.done $0x0  }
.LBB2_2:
0x23: {  	s20 =	sshra.s32 s18, $0x2  }
0x24: {  	[sflag:s12] =	ssyncadd.s32 $0xFFFFC000;
	s18 =	smov.u32 s19;
	s21 =	sadd.s32 $0x200, s19  }
0x25: {  	[tilespmem:s15], [sflag:$0x1] =	stream.indirect.gather [hbm4b:s4+s14], $0x80, s20, s14, $0xb8;
	[tilespmem:$0x1D000] =	vst v63  }
0x26: {  	p0 =	sne.s32 s19, $0x9C00;
	_ =	swait.ge [sflag:s16], $0x4000  }
.Ltmp0:
0x27: {  	[sflag:s16] =	ssyncset.done $0x0;
	(pc) =	sbr.rel @p0 .LBB2_2-.Ltmp0, $4  }
0x28: {  	s19 =	sadd.s32 $0x2800, s20;
	[sflag:s16] =	ssyncadd.s32 $0xFFFFC000  }
0x29: {  	[spmem:s2] =	stream.indirect.scatter.add.f32 [tilespmem:s15], [sflag:$0x2], $0x80, s19, s14, $0xb8;
	[tilespmem:$0x1D000] =	vst v63  }
0x2a: {  	_ =	swait.ge [sflag:s12], $0x4000  }
0x2b: {  	s19 =	smov.u32 s21;
	[sflag:s12] =	ssyncset.done $0x0  }
0x2c: {  	s18 =	sshra.s32 s18, $0x2;
	[sflag:s12] =	ssyncadd.s32 $0xFFFFC000  }
0x2d: {  	[tilespmem:s15], [sflag:$0x1] =	stream.indirect.gather [hbm4b:s4+s14], $0x80, s18, s14, $0xb8;
	[tilespmem:$0x1D000] =	vst v63  }
0x2e: {  	_ =	swait.ge [sflag:s16], $0x4000  }
0x2f: {  	[sflag:s16] =	ssyncset.done $0x0  }
0x30: {  	s18 =	sadd.s32 $0x2800, s18;
	[sflag:s16] =	ssyncadd.s32 $0xFFFFC000  }
0x31: {  	[spmem:s2] =	stream.indirect.scatter.add.f32 [tilespmem:s15], [sflag:$0x2], $0x80, s18, s14, $0xb8;
	[tilespmem:$0x1D000] =	vst v63  }
0x32: {  	_ =	swait.ge [sflag:s12], $0x4000  }
0x33: {  	s17 =	sadd.s32 $0x1, s17;
	[sflag:s12] =	ssyncset.done $0x0  }
0x34: {  	p0 =	sne.s32 s17, s9;
	[sflag:s12] =	ssyncadd.s32 $0xFFFFC000  }
.Ltmp1:
0x35: {  	[bflag:$0x0] =	sbarrier.arrive $0xFFFF;
	(pc) =	sbr.rel @p0 .LBB2_1-.Ltmp1, $4  }
0x36: {  	[hbm:s10], [sflag:s6] =	dma.local [spmem:s11], $0x2800  }
0x37: {  	_ =	swait.ge [sflag:s12], $0x2800  }
0x38: {  	[sflag:s12] =	ssyncset.done $0x0  }
0x39: {  	[sflag:s12] =	ssyncadd.s32 $0xFFFFD800  }
0x3a: {  	_ =	sfence.sel $0x180000  }
0x3b: {  	[bflag:$0x0] =	sbarrier.arrive $0xFFFF  }
0x3c: {  	p0 =	sne.s32 s0, $0x0;
	_ =	strace $0x90000053  }
0x3d: {  	s0 =	sadd.s32 @!p0 $0x100000, s1;
	[bflag:$0x2] =	sbarrier.arrive $0xFFFF  }
0x3e: {  	[sflag:s0] =	ssyncadd.tile.s32 @!p0 $0x1;
	_ =	shalt  }
.Lfunc_end2:
_tile_overlayer_lowered:
.L_overlay_start_2:
0x3f: {  	(tag) =	ssettag $0x2  }
0x40: {  	s0 =	rddreg [dreg:$0x0];
	s2 =	stileid.u32  }
0x41: {  	s1 =	rddreg [dreg:$0x1];
	p0 =	sne.s32 s2, $0x0  }
0x42: {  	s3 =	rddreg [dreg:$0x2];
	[bflag:$0x3] =	sbarrier.arrive $0xFFFF;
	s2 =	simm.s32 @!p0 $0x1C02  }
0x43: {  	[timem:s3], [sflag:s2] =	dma.local @!p0 [hbm:s0], s1  }
0x44: {  	s0 =	simm.s32 @!p0 $0x2  }
0x45: {  	_ =	swait.ge @!p0 [sflag:s0], s1  }
0x46: {  	s1 =	ssub.s32 @!p0 $0x0, s1;
	[sflag:s0] =	ssyncset.done @!p0 $0x0  }
0x47: {  	[sflag:s0] =	ssyncadd.s32 @!p0 s1  }
0x48: {  	[bflag:$0x3] =	sbarrier.arrive $0xFFFF  }
0x49: {  	_ =	shalt  }

</sc_bundles>
